<compile_context>
chip_gen: v7x
topology: tpu7x:2x2x1
jax: 0.10.2.dev20260603
libtpu: 0.0.44.dev20260713+nightly
codegen_flags: <defaults>
</compile_context>

<pallas_src>
import functools

import numpy as np

import jax
import jax.numpy as jnp
from jax.experimental import pallas as pl
from jax.experimental.pallas import tpu as pltpu
from jax.experimental.pallas import tpu_sc as plsc

_NUM_CORES = 2
_NUM_SUBCORES = 16
_NUM_WORKERS = _NUM_CORES * _NUM_SUBCORES
_CHUNK = 128


def _sc_gather_tmajor(table, idx3d, pos3d):
    workers, chunks, cw = idx3d.shape
    n = workers * chunks * cw
    d = table.shape[1]
    rows_per_w = chunks * cw

    mesh = plsc.VectorSubcoreMesh(core_axis_name="c", subcore_axis_name="s")

    @functools.partial(
        pl.kernel,
        out_type=jax.ShapeDtypeStruct((n, d), table.dtype),
        mesh=mesh,
        scratch_types=[
            pltpu.VMEM((chunks, _CHUNK), jnp.int32),
            pltpu.VMEM((chunks, _CHUNK), jnp.int32),
            pltpu.VMEM((rows_per_w, d), table.dtype),
            pltpu.SemaphoreType.DMA,
            pltpu.SemaphoreType.DMA,
        ],
    )
    def gather_kernel(table_hbm, idx_hbm, pos_hbm, out_hbm, idx_v, pos_v,
                      rows_v, gsem, ssem):
        c = jax.lax.axis_index("c")
        s = jax.lax.axis_index("s")
        wid = s * _NUM_CORES + c
        pltpu.sync_copy(idx_hbm.at[wid], idx_v)
        pltpu.sync_copy(pos_hbm.at[wid], pos_v)
        gathers = [
            pltpu.async_copy(
                table_hbm.at[idx_v.at[k]],
                rows_v.at[pl.ds(k * _CHUNK, _CHUNK)],
                gsem,
            )
            for k in range(chunks)
        ]
        for g in gathers:
            g.wait()
        scatters = [
            pltpu.async_copy(
                rows_v.at[pl.ds(k * _CHUNK, _CHUNK)],
                out_hbm.at[pos_v.at[k]],
                ssem,
            )
            for k in range(chunks)
        ]
        for sc in scatters:
            sc.wait()

    return gather_kernel(table, idx3d, pos3d)


def _gru_proj(x3d, k0, r0, b0, k1, r1, b1, wt, b_col):
    T, B, E = x3d.shape
    H = r0.shape[0]
    v = wt.shape[0]

    def body(x_ref, k0_ref, r0_ref, b0_ref, k1_ref, r1_ref, b1_ref,
             wt_ref, b_ref, o_ref, h0_s, h1_s):
        t = pl.program_id(0)

        @pl.when(t == 0)
        def _init():
            h0_s[...] = jnp.zeros_like(h0_s)
            h1_s[...] = jnp.zeros_like(h1_s)

        k0v = k0_ref[...].astype(jnp.bfloat16)
        r0v = r0_ref[...].astype(jnp.bfloat16)
        k1v = k1_ref[...].astype(jnp.bfloat16)
        r1v = r1_ref[...].astype(jnp.bfloat16)
        bi0 = b0_ref[0:1, :]
        br0 = b0_ref[1:2, :]
        bi1 = b1_ref[0:1, :]
        br1 = b1_ref[1:2, :]

        def gru_step(h, x_proj, rec, br):
            hp = jnp.dot(h.astype(jnp.bfloat16), rec,
                         preferred_element_type=jnp.float32) + br
            z = jax.nn.sigmoid(x_proj[:, :H] + hp[:, :H])
            r = jax.nn.sigmoid(x_proj[:, H:2 * H] + hp[:, H:2 * H])
            hh = jnp.tanh(x_proj[:, 2 * H:] + r * hp[:, 2 * H:])
            return h + (1.0 - z) * (hh - h)

        xp0 = jnp.dot(x_ref[0].astype(jnp.bfloat16), k0v,
                      preferred_element_type=jnp.float32) + bi0
        h0 = gru_step(h0_s[...], xp0, r0v, br0)
        h0_s[...] = h0
        xp1 = jnp.dot(h0.astype(jnp.bfloat16), k1v,
                      preferred_element_type=jnp.float32) + bi1
        h1 = gru_step(h1_s[...], xp1, r1v, br1)
        h1_s[...] = h1
        o_ref[0] = jax.lax.dot_general(
            wt_ref[...].astype(jnp.bfloat16), h1.astype(jnp.bfloat16),
            dimension_numbers=(((1,), (1,)), ((), ())),
            preferred_element_type=jnp.float32,
        ) + b_ref[...]

    return pl.pallas_call(
        body,
        grid=(T,),
        in_specs=[
            pl.BlockSpec((1, B, E), lambda t: (t, 0, 0)),
            pl.BlockSpec(k0.shape, lambda t: (0, 0)),
            pl.BlockSpec(r0.shape, lambda t: (0, 0)),
            pl.BlockSpec(b0.shape, lambda t: (0, 0)),
            pl.BlockSpec(k1.shape, lambda t: (0, 0)),
            pl.BlockSpec(r1.shape, lambda t: (0, 0)),
            pl.BlockSpec(b1.shape, lambda t: (0, 0)),
            pl.BlockSpec(wt.shape, lambda t: (0, 0)),
            pl.BlockSpec((v, 1), lambda t: (0, 0)),
        ],
        out_specs=pl.BlockSpec((1, v, B), lambda t: (t, 0, 0)),
        out_shape=jax.ShapeDtypeStruct((T, v, B), jnp.float32),
        scratch_shapes=[
            pltpu.VMEM((B, H), jnp.float32),
            pltpu.VMEM((B, H), jnp.float32),
        ],
        compiler_params=pltpu.CompilerParams(
            dimension_semantics=("arbitrary",),
        ),
    )(x3d, k0, r0, b0, k1, r1, b1, wt, b_col)


def kernel(indices, embed, gru0_kernel, gru0_rec_kernel, gru0_bias,
           gru1_kernel, gru1_rec_kernel, gru1_bias, proj_W, proj_b):
    B, T = indices.shape
    V, E = embed.shape

    idx3d = indices.reshape(_NUM_WORKERS, -1, _CHUNK)
    bb, tt = np.meshgrid(np.arange(B), np.arange(T), indexing="ij")
    pos3d = jnp.asarray(
        (tt * B + bb).reshape(_NUM_WORKERS, -1, _CHUNK), dtype=jnp.int32)
    x = _sc_gather_tmajor(embed, idx3d, pos3d).reshape(T, B, E)
    out_p = _gru_proj(x, gru0_kernel, gru0_rec_kernel, gru0_bias,
                      gru1_kernel, gru1_rec_kernel, gru1_bias,
                      proj_W.T, proj_b.reshape(V, 1))
    return jnp.transpose(out_p, (2, 0, 1))

# --- scband reference (transcript-rebuilt; emitter-appended) ---
"""Pipeline reference for scband-word-model-25709674234315 (READ-ONLY COPY).

The authoritative reference and input builder live on the scoring server;
editing this copy changes nothing except your own understanding.
"""

import jax, jax.numpy as jnp
import numpy as np


def _gru_layer(x, kernel, rec_kernel, bias):
    # Keras GRU (v2, reset_after=True), gate order [z, r, h]
    # x: [B, T, d_in]; kernel: [d_in, 3u]; rec_kernel: [u, 3u]; bias: [2, 3u]
    units = rec_kernel.shape[0]
    b_i = bias[0]
    b_r = bias[1]

    def step(h, x_t):
        x_proj = x_t @ kernel + b_i          # [B, 3u]
        h_proj = h @ rec_kernel + b_r        # [B, 3u]
        xz, xr, xh = jnp.split(x_proj, 3, axis=-1)
        hz, hr, hh_ = jnp.split(h_proj, 3, axis=-1)
        z = jax.nn.sigmoid(xz + hz)
        r = jax.nn.sigmoid(xr + hr)
        hh = jnp.tanh(xh + r * hh_)
        h_new = z * h + (1.0 - z) * hh
        return h_new, h_new

    B = x.shape[0]
    h0 = jnp.zeros((B, units), dtype=x.dtype)
    xs = jnp.swapaxes(x, 0, 1)               # [T, B, d_in]
    _, ys = jax.lax.scan(step, h0, xs)        # ys: [T, B, u]
    return jnp.swapaxes(ys, 0, 1)            # [B, T, u]


def setup_inputs(seed: int = 0):
    key = jax.random.key(seed)
    ks = jax.random.split(key, 10)
    B, T = 1024, 20
    vocab, embed_dim, hidden = 1000, 128, 128
    indices = jax.random.randint(ks[0], (B, T), 0, vocab, dtype=jnp.int32)
    embed = jax.random.normal(ks[1], (vocab, embed_dim), dtype=jnp.float32) * 0.1
    gru0_kernel = jax.random.normal(ks[2], (embed_dim, 3 * hidden), dtype=jnp.float32) * 0.05
    gru0_rec_kernel = jax.random.normal(ks[3], (hidden, 3 * hidden), dtype=jnp.float32) * 0.05
    gru0_bias = jnp.zeros((2, 3 * hidden), dtype=jnp.float32)
    gru1_kernel = jax.random.normal(ks[4], (hidden, 3 * hidden), dtype=jnp.float32) * 0.05
    gru1_rec_kernel = jax.random.normal(ks[5], (hidden, 3 * hidden), dtype=jnp.float32) * 0.05
    gru1_bias = jnp.zeros((2, 3 * hidden), dtype=jnp.float32)
    proj_W = jax.random.normal(ks[6], (hidden, vocab), dtype=jnp.float32) * 0.05
    proj_b = jnp.zeros((vocab,), dtype=jnp.float32)
    return {
        "indices": indices,
        "embed": embed,
        "gru0_kernel": gru0_kernel,
        "gru0_rec_kernel": gru0_rec_kernel,
        "gru0_bias": gru0_bias,
        "gru1_kernel": gru1_kernel,
        "gru1_rec_kernel": gru1_rec_kernel,
        "gru1_bias": gru1_bias,
        "proj_W": proj_W,
        "proj_b": proj_b,
    }


def reference(indices, embed, gru0_kernel, gru0_rec_kernel, gru0_bias,
              gru1_kernel, gru1_rec_kernel, gru1_bias, proj_W, proj_b):
    # tf.nn.embedding_lookup
    states = jnp.take(embed, indices, axis=0)           # [B, T, embed_dim]
    # stacked GRUs (return_sequences=True)
    states = _gru_layer(states, gru0_kernel, gru0_rec_kernel, gru0_bias)
    states = _gru_layer(states, gru1_kernel, gru1_rec_kernel, gru1_bias)
    # dropout evaluated in inference mode (identity) for determinism
    preds = states @ proj_W + proj_b                    # [B, T, vocab]
    return preds

if __name__ == "__main__":
    import jax
    _d = setup_inputs()
    print(jax.jit(kernel)(*tuple(_d.values())))

</pallas_src>

<mosaic_0001>
#map = affine_map<(d0, d1) -> (0, 0)>
#map1 = affine_map<(d0, d1) -> (0, 0, 0)>
module attributes {stable_mosaic.version = 14 : i64} {
  func.func @gather_kernel(%arg0: i32, %arg1: i32, %arg2: memref<1000x128xf32, #tpu.memory_space<hbm>>, %arg3: memref<32x5x128xi32, #tpu.memory_space<hbm>>, %arg4: memref<32x5x128xi32, #tpu.memory_space<hbm>>, %arg5: memref<20480x128xf32, #tpu.memory_space<hbm>>, %arg6: memref<5x128xi32, #tpu.memory_space<vmem>>, %arg7: memref<5x128xi32, #tpu.memory_space<vmem>>, %arg8: memref<640x128xf32, #tpu.memory_space<vmem>>, %arg9: memref<!tpu.dma_semaphore, #tpu.memory_space<semaphore_mem>>, %arg10: memref<!tpu.dma_semaphore, #tpu.memory_space<semaphore_mem>>) attributes {dimension_semantics = [#tpu.dimension_semantics<core_parallel>, #tpu.dimension_semantics<subcore_parallel>], iteration_bounds = array<i64: 2, 16>, scalar_prefetch = 0 : i64, scratch_operands = 5 : i64, tpu.core_type = #tpu.core_type<sc_vector_subcore>, window_params = [{transform_indices = #map}, {transform_indices = #map1}, {transform_indices = #map1}, {transform_indices = #map}]} {
    %mul3A = arith.constant 2 : i32
    %mul3A_0 = arith.muli %arg1, %mul3A : i32
    %add3A = arith.addi %mul3A_0, %arg0 : i32
    "tpu.region"() ({
      %run_scoped3A = tpu.sem_alloc : memref<!tpu.dma_semaphore, #tpu.memory_space<semaphore_mem>>
      %dma_start3A_199 = arith.constant 0 : i32
      %dma_start3A_200 = arith.constant 0 : i32
      %dma_start3A_201 = tpu.memref_slice %arg3[%add3A, %dma_start3A_199, %dma_start3A_200] : memref<32x5x128xi32, #tpu.memory_space<hbm>> -> memref<1x5x128xi32, #tpu.memory_space<hbm>>
      %dma_start3A_202 = tpu.memref_squeeze %dma_start3A_201 : memref<1x5x128xi32, #tpu.memory_space<hbm>> -> memref<5x128xi32, #tpu.memory_space<hbm>>
      %dma_start3A_203 = arith.constant 0 : i32
      %dma_start3A_204 = arith.constant 0 : i32
      %dma_start3A_205 = tpu.memref_slice %arg3[%add3A, %dma_start3A_203, %dma_start3A_204] : memref<32x5x128xi32, #tpu.memory_space<hbm>> -> memref<1x5x128xi32, #tpu.memory_space<hbm>>
      %dma_start3A_206 = tpu.memref_squeeze %dma_start3A_205 : memref<1x5x128xi32, #tpu.memory_space<hbm>> -> memref<5x128xi32, #tpu.memory_space<hbm>>
      tpu.enqueue_dma source(%dma_start3A_206 : memref<5x128xi32, #tpu.memory_space<hbm>>) target(%arg6 : memref<5x128xi32, #tpu.memory_space<vmem>>) target_semaphore(%run_scoped3A : memref<!tpu.dma_semaphore, #tpu.memory_space<semaphore_mem>>)
      %dma_wait3A_207 = arith.constant 0 : i32
      %dma_wait3A_208 = arith.constant 0 : i32
      %dma_wait3A_209 = tpu.memref_slice %arg3[%add3A, %dma_wait3A_207, %dma_wait3A_208] : memref<32x5x128xi32, #tpu.memory_space<hbm>> -> memref<1x5x128xi32, #tpu.memory_space<hbm>>
      %dma_wait3A_210 = tpu.memref_squeeze %dma_wait3A_209 : memref<1x5x128xi32, #tpu.memory_space<hbm>> -> memref<5x128xi32, #tpu.memory_space<hbm>>
      %dma_wait3A_211 = arith.constant 0 : i32
      %dma_wait3A_212 = arith.constant 0 : i32
      %dma_wait3A_213 = tpu.memref_slice %arg3[%add3A, %dma_wait3A_211, %dma_wait3A_212] : memref<32x5x128xi32, #tpu.memory_space<hbm>> -> memref<1x5x128xi32, #tpu.memory_space<hbm>>
      %dma_wait3A_214 = tpu.memref_squeeze %dma_wait3A_213 : memref<1x5x128xi32, #tpu.memory_space<hbm>> -> memref<5x128xi32, #tpu.memory_space<hbm>>
      tpu.wait_dma2 semaphore(%run_scoped3A : memref<!tpu.dma_semaphore, #tpu.memory_space<semaphore_mem>>) src(%dma_wait3A_214 : memref<5x128xi32, #tpu.memory_space<hbm>>) dst(%arg6 : memref<5x128xi32, #tpu.memory_space<vmem>>)
      tpu.yield
    }) : () -> ()
    "tpu.region"() ({
      %run_scoped3A = tpu.sem_alloc : memref<!tpu.dma_semaphore, #tpu.memory_space<semaphore_mem>>
      %dma_start3A_199 = arith.constant 0 : i32
      %dma_start3A_200 = arith.constant 0 : i32
      %dma_start3A_201 = tpu.memref_slice %arg4[%add3A, %dma_start3A_199, %dma_start3A_200] : memref<32x5x128xi32, #tpu.memory_space<hbm>> -> memref<1x5x128xi32, #tpu.memory_space<hbm>>
      %dma_start3A_202 = tpu.memref_squeeze %dma_start3A_201 : memref<1x5x128xi32, #tpu.memory_space<hbm>> -> memref<5x128xi32, #tpu.memory_space<hbm>>
      %dma_start3A_203 = arith.constant 0 : i32
      %dma_start3A_204 = arith.constant 0 : i32
      %dma_start3A_205 = tpu.memref_slice %arg4[%add3A, %dma_start3A_203, %dma_start3A_204] : memref<32x5x128xi32, #tpu.memory_space<hbm>> -> memref<1x5x128xi32, #tpu.memory_space<hbm>>
      %dma_start3A_206 = tpu.memref_squeeze %dma_start3A_205 : memref<1x5x128xi32, #tpu.memory_space<hbm>> -> memref<5x128xi32, #tpu.memory_space<hbm>>
      tpu.enqueue_dma source(%dma_start3A_206 : memref<5x128xi32, #tpu.memory_space<hbm>>) target(%arg7 : memref<5x128xi32, #tpu.memory_space<vmem>>) target_semaphore(%run_scoped3A : memref<!tpu.dma_semaphore, #tpu.memory_space<semaphore_mem>>)
      %dma_wait3A_207 = arith.constant 0 : i32
      %dma_wait3A_208 = arith.constant 0 : i32
      %dma_wait3A_209 = tpu.memref_slice %arg4[%add3A, %dma_wait3A_207, %dma_wait3A_208] : memref<32x5x128xi32, #tpu.memory_space<hbm>> -> memref<1x5x128xi32, #tpu.memory_space<hbm>>
      %dma_wait3A_210 = tpu.memref_squeeze %dma_wait3A_209 : memref<1x5x128xi32, #tpu.memory_space<hbm>> -> memref<5x128xi32, #tpu.memory_space<hbm>>
      %dma_wait3A_211 = arith.constant 0 : i32
      %dma_wait3A_212 = arith.constant 0 : i32
      %dma_wait3A_213 = tpu.memref_slice %arg4[%add3A, %dma_wait3A_211, %dma_wait3A_212] : memref<32x5x128xi32, #tpu.memory_space<hbm>> -> memref<1x5x128xi32, #tpu.memory_space<hbm>>
      %dma_wait3A_214 = tpu.memref_squeeze %dma_wait3A_213 : memref<1x5x128xi32, #tpu.memory_space<hbm>> -> memref<5x128xi32, #tpu.memory_space<hbm>>
      tpu.wait_dma2 semaphore(%run_scoped3A : memref<!tpu.dma_semaphore, #tpu.memory_space<semaphore_mem>>) src(%dma_wait3A_214 : memref<5x128xi32, #tpu.memory_space<hbm>>) dst(%arg7 : memref<5x128xi32, #tpu.memory_space<vmem>>)
      tpu.yield
    }) : () -> ()
    %dma_start3A = arith.constant 0 : i32
    %dma_start3A_1 = arith.constant 0 : i32
    %dma_start3A_2 = arith.constant 0 : i32
    %dma_start3A_3 = tpu.memref_slice %arg8[%dma_start3A_1, %dma_start3A_2] : memref<640x128xf32, #tpu.memory_space<vmem>> -> memref<128x128xf32, #tpu.memory_space<vmem>>
    %dma_start3A_4 = arith.constant 0 : i32
    %dma_start3A_5 = tpu.memref_slice %arg6[%dma_start3A, %dma_start3A_4] : memref<5x128xi32, #tpu.memory_space<vmem>> -> memref<1x128xi32, #tpu.memory_space<vmem>>
    %dma_start3A_6 = tpu.memref_squeeze %dma_start3A_5 : memref<1x128xi32, #tpu.memory_space<vmem>> -> memref<128xi32, #tpu.memory_space<vmem>>
    %dma_start3A_7 = arith.constant 0 : i32
    %dma_start3A_8 = arith.constant 0 : i32
    %dma_start3A_9 = tpu.memref_slice %arg2[%dma_start3A_7, %dma_start3A_8] : memref<1000x128xf32, #tpu.memory_space<hbm>> -> memref<1000x128xf32, #tpu.memory_space<hbm>>
    tpu.enqueue_indirect_dma source(%dma_start3A_9 : memref<1000x128xf32, #tpu.memory_space<hbm>>) target(%dma_start3A_3 : memref<128x128xf32, #tpu.memory_space<vmem>>) offsets(%dma_start3A_6 : memref<128xi32, #tpu.memory_space<vmem>>) semaphore(%arg9 : memref<!tpu.dma_semaphore, #tpu.memory_space<semaphore_mem>>)
    %dma_start3A_10 = arith.constant 1 : i32
    %dma_start3A_11 = arith.constant 128 : i32
    %dma_start3A_12 = arith.constant 0 : i32
    %dma_start3A_13 = tpu.memref_slice %arg8[%dma_start3A_11, %dma_start3A_12] : memref<640x128xf32, #tpu.memory_space<vmem>> -> memref<128x128xf32, #tpu.memory_space<vmem>>
    %dma_start3A_14 = arith.constant 0 : i32
    %dma_start3A_15 = tpu.memref_slice %arg6[%dma_start3A_10, %dma_start3A_14] : memref<5x128xi32, #tpu.memory_space<vmem>> -> memref<1x128xi32, #tpu.memory_space<vmem>>
    %dma_start3A_16 = tpu.memref_squeeze %dma_start3A_15 : memref<1x128xi32, #tpu.memory_space<vmem>> -> memref<128xi32, #tpu.memory_space<vmem>>
    %dma_start3A_17 = arith.constant 0 : i32
    %dma_start3A_18 = arith.constant 0 : i32
    %dma_start3A_19 = tpu.memref_slice %arg2[%dma_start3A_17, %dma_start3A_18] : memref<1000x128xf32, #tpu.memory_space<hbm>> -> memref<1000x128xf32, #tpu.memory_space<hbm>>
    tpu.enqueue_indirect_dma source(%dma_start3A_19 : memref<1000x128xf32, #tpu.memory_space<hbm>>) target(%dma_start3A_13 : memref<128x128xf32, #tpu.memory_space<vmem>>) offsets(%dma_start3A_16 : memref<128xi32, #tpu.memory_space<vmem>>) semaphore(%arg9 : memref<!tpu.dma_semaphore, #tpu.memory_space<semaphore_mem>>)
    %dma_start3A_20 = arith.constant 2 : i32
    %dma_start3A_21 = arith.constant 256 : i32
    %dma_start3A_22 = arith.constant 0 : i32
    %dma_start3A_23 = tpu.memref_slice %arg8[%dma_start3A_21, %dma_start3A_22] : memref<640x128xf32, #tpu.memory_space<vmem>> -> memref<128x128xf32, #tpu.memory_space<vmem>>
    %dma_start3A_24 = arith.constant 0 : i32
    %dma_start3A_25 = tpu.memref_slice %arg6[%dma_start3A_20, %dma_start3A_24] : memref<5x128xi32, #tpu.memory_space<vmem>> -> memref<1x128xi32, #tpu.memory_space<vmem>>
    %dma_start3A_26 = tpu.memref_squeeze %dma_start3A_25 : memref<1x128xi32, #tpu.memory_space<vmem>> -> memref<128xi32, #tpu.memory_space<vmem>>
    %dma_start3A_27 = arith.constant 0 : i32
    %dma_start3A_28 = arith.constant 0 : i32
    %dma_start3A_29 = tpu.memref_slice %arg2[%dma_start3A_27, %dma_start3A_28] : memref<1000x128xf32, #tpu.memory_space<hbm>> -> memref<1000x128xf32, #tpu.memory_space<hbm>>
    tpu.enqueue_indirect_dma source(%dma_start3A_29 : memref<1000x128xf32, #tpu.memory_space<hbm>>) target(%dma_start3A_23 : memref<128x128xf32, #tpu.memory_space<vmem>>) offsets(%dma_start3A_26 : memref<128xi32, #tpu.memory_space<vmem>>) semaphore(%arg9 : memref<!tpu.dma_semaphore, #tpu.memory_space<semaphore_mem>>)
    %dma_start3A_30 = arith.constant 3 : i32
    %dma_start3A_31 = arith.constant 384 : i32
    %dma_start3A_32 = arith.constant 0 : i32
    %dma_start3A_33 = tpu.memref_slice %arg8[%dma_start3A_31, %dma_start3A_32] : memref<640x128xf32, #tpu.memory_space<vmem>> -> memref<128x128xf32, #tpu.memory_space<vmem>>
    %dma_start3A_34 = arith.constant 0 : i32
    %dma_start3A_35 = tpu.memref_slice %arg6[%dma_start3A_30, %dma_start3A_34] : memref<5x128xi32, #tpu.memory_space<vmem>> -> memref<1x128xi32, #tpu.memory_space<vmem>>
    %dma_start3A_36 = tpu.memref_squeeze %dma_start3A_35 : memref<1x128xi32, #tpu.memory_space<vmem>> -> memref<128xi32, #tpu.memory_space<vmem>>
    %dma_start3A_37 = arith.constant 0 : i32
    %dma_start3A_38 = arith.constant 0 : i32
    %dma_start3A_39 = tpu.memref_slice %arg2[%dma_start3A_37, %dma_start3A_38] : memref<1000x128xf32, #tpu.memory_space<hbm>> -> memref<1000x128xf32, #tpu.memory_space<hbm>>
    tpu.enqueue_indirect_dma source(%dma_start3A_39 : memref<1000x128xf32, #tpu.memory_space<hbm>>) target(%dma_start3A_33 : memref<128x128xf32, #tpu.memory_space<vmem>>) offsets(%dma_start3A_36 : memref<128xi32, #tpu.memory_space<vmem>>) semaphore(%arg9 : memref<!tpu.dma_semaphore, #tpu.memory_space<semaphore_mem>>)
    %dma_start3A_40 = arith.constant 4 : i32
    %dma_start3A_41 = arith.constant 512 : i32
    %dma_start3A_42 = arith.constant 0 : i32
    %dma_start3A_43 = tpu.memref_slice %arg8[%dma_start3A_41, %dma_start3A_42] : memref<640x128xf32, #tpu.memory_space<vmem>> -> memref<128x128xf32, #tpu.memory_space<vmem>>
    %dma_start3A_44 = arith.constant 0 : i32
    %dma_start3A_45 = tpu.memref_slice %arg6[%dma_start3A_40, %dma_start3A_44] : memref<5x128xi32, #tpu.memory_space<vmem>> -> memref<1x128xi32, #tpu.memory_space<vmem>>
    %dma_start3A_46 = tpu.memref_squeeze %dma_start3A_45 : memref<1x128xi32, #tpu.memory_space<vmem>> -> memref<128xi32, #tpu.memory_space<vmem>>
    %dma_start3A_47 = arith.constant 0 : i32
    %dma_start3A_48 = arith.constant 0 : i32
    %dma_start3A_49 = tpu.memref_slice %arg2[%dma_start3A_47, %dma_start3A_48] : memref<1000x128xf32, #tpu.memory_space<hbm>> -> memref<1000x128xf32, #tpu.memory_space<hbm>>
    tpu.enqueue_indirect_dma source(%dma_start3A_49 : memref<1000x128xf32, #tpu.memory_space<hbm>>) target(%dma_start3A_43 : memref<128x128xf32, #tpu.memory_space<vmem>>) offsets(%dma_start3A_46 : memref<128xi32, #tpu.memory_space<vmem>>) semaphore(%arg9 : memref<!tpu.dma_semaphore, #tpu.memory_space<semaphore_mem>>)
    %dma_wait3A = arith.constant 0 : i32
    %dma_wait3A_50 = arith.constant 0 : i32
    %dma_wait3A_51 = arith.constant 0 : i32
    %dma_wait3A_52 = tpu.memref_slice %arg8[%dma_wait3A_50, %dma_wait3A_51] : memref<640x128xf32, #tpu.memory_space<vmem>> -> memref<128x128xf32, #tpu.memory_space<vmem>>
    %dma_wait3A_53 = arith.constant 0 : i32
    %dma_wait3A_54 = tpu.memref_slice %arg6[%dma_wait3A, %dma_wait3A_53] : memref<5x128xi32, #tpu.memory_space<vmem>> -> memref<1x128xi32, #tpu.memory_space<vmem>>
    %dma_wait3A_55 = tpu.memref_squeeze %dma_wait3A_54 : memref<1x128xi32, #tpu.memory_space<vmem>> -> memref<128xi32, #tpu.memory_space<vmem>>
    %dma_wait3A_56 = arith.constant 0 : i32
    %dma_wait3A_57 = arith.constant 0 : i32
    %dma_wait3A_58 = tpu.memref_slice %arg2[%dma_wait3A_56, %dma_wait3A_57] : memref<1000x128xf32, #tpu.memory_space<hbm>> -> memref<1000x128xf32, #tpu.memory_space<hbm>>
    tpu.wait_indirect_dma semaphore(%arg9 : memref<!tpu.dma_semaphore, #tpu.memory_space<semaphore_mem>>) src(%dma_wait3A_58 : memref<1000x128xf32, #tpu.memory_space<hbm>>) dst(%dma_wait3A_52 : memref<128x128xf32, #tpu.memory_space<vmem>>)
    %dma_wait3A_59 = arith.constant 1 : i32
    %dma_wait3A_60 = arith.constant 128 : i32
    %dma_wait3A_61 = arith.constant 0 : i32
    %dma_wait3A_62 = tpu.memref_slice %arg8[%dma_wait3A_60, %dma_wait3A_61] : memref<640x128xf32, #tpu.memory_space<vmem>> -> memref<128x128xf32, #tpu.memory_space<vmem>>
    %dma_wait3A_63 = arith.constant 0 : i32
    %dma_wait3A_64 = tpu.memref_slice %arg6[%dma_wait3A_59, %dma_wait3A_63] : memref<5x128xi32, #tpu.memory_space<vmem>> -> memref<1x128xi32, #tpu.memory_space<vmem>>
    %dma_wait3A_65 = tpu.memref_squeeze %dma_wait3A_64 : memref<1x128xi32, #tpu.memory_space<vmem>> -> memref<128xi32, #tpu.memory_space<vmem>>
    %dma_wait3A_66 = arith.constant 0 : i32
    %dma_wait3A_67 = arith.constant 0 : i32
    %dma_wait3A_68 = tpu.memref_slice %arg2[%dma_wait3A_66, %dma_wait3A_67] : memref<1000x128xf32, #tpu.memory_space<hbm>> -> memref<1000x128xf32, #tpu.memory_space<hbm>>
    tpu.wait_indirect_dma semaphore(%arg9 : memref<!tpu.dma_semaphore, #tpu.memory_space<semaphore_mem>>) src(%dma_wait3A_68 : memref<1000x128xf32, #tpu.memory_space<hbm>>) dst(%dma_wait3A_62 : memref<128x128xf32, #tpu.memory_space<vmem>>)
    %dma_wait3A_69 = arith.constant 2 : i32
    %dma_wait3A_70 = arith.constant 256 : i32
    %dma_wait3A_71 = arith.constant 0 : i32
    %dma_wait3A_72 = tpu.memref_slice %arg8[%dma_wait3A_70, %dma_wait3A_71] : memref<640x128xf32, #tpu.memory_space<vmem>> -> memref<128x128xf32, #tpu.memory_space<vmem>>
    %dma_wait3A_73 = arith.constant 0 : i32
    %dma_wait3A_74 = tpu.memref_slice %arg6[%dma_wait3A_69, %dma_wait3A_73] : memref<5x128xi32, #tpu.memory_space<vmem>> -> memref<1x128xi32, #tpu.memory_space<vmem>>
    %dma_wait3A_75 = tpu.memref_squeeze %dma_wait3A_74 : memref<1x128xi32, #tpu.memory_space<vmem>> -> memref<128xi32, #tpu.memory_space<vmem>>
    %dma_wait3A_76 = arith.constant 0 : i32
    %dma_wait3A_77 = arith.constant 0 : i32
    %dma_wait3A_78 = tpu.memref_slice %arg2[%dma_wait3A_76, %dma_wait3A_77] : memref<1000x128xf32, #tpu.memory_space<hbm>> -> memref<1000x128xf32, #tpu.memory_space<hbm>>
    tpu.wait_indirect_dma semaphore(%arg9 : memref<!tpu.dma_semaphore, #tpu.memory_space<semaphore_mem>>) src(%dma_wait3A_78 : memref<1000x128xf32, #tpu.memory_space<hbm>>) dst(%dma_wait3A_72 : memref<128x128xf32, #tpu.memory_space<vmem>>)
    %dma_wait3A_79 = arith.constant 3 : i32
    %dma_wait3A_80 = arith.constant 384 : i32
    %dma_wait3A_81 = arith.constant 0 : i32
    %dma_wait3A_82 = tpu.memref_slice %arg8[%dma_wait3A_80, %dma_wait3A_81] : memref<640x128xf32, #tpu.memory_space<vmem>> -> memref<128x128xf32, #tpu.memory_space<vmem>>
    %dma_wait3A_83 = arith.constant 0 : i32
    %dma_wait3A_84 = tpu.memref_slice %arg6[%dma_wait3A_79, %dma_wait3A_83] : memref<5x128xi32, #tpu.memory_space<vmem>> -> memref<1x128xi32, #tpu.memory_space<vmem>>
    %dma_wait3A_85 = tpu.memref_squeeze %dma_wait3A_84 : memref<1x128xi32, #tpu.memory_space<vmem>> -> memref<128xi32, #tpu.memory_space<vmem>>
    %dma_wait3A_86 = arith.constant 0 : i32
    %dma_wait3A_87 = arith.constant 0 : i32
    %dma_wait3A_88 = tpu.memref_slice %arg2[%dma_wait3A_86, %dma_wait3A_87] : memref<1000x128xf32, #tpu.memory_space<hbm>> -> memref<1000x128xf32, #tpu.memory_space<hbm>>
    tpu.wait_indirect_dma semaphore(%arg9 : memref<!tpu.dma_semaphore, #tpu.memory_space<semaphore_mem>>) src(%dma_wait3A_88 : memref<1000x128xf32, #tpu.memory_space<hbm>>) dst(%dma_wait3A_82 : memref<128x128xf32, #tpu.memory_space<vmem>>)
    %dma_wait3A_89 = arith.constant 4 : i32
    %dma_wait3A_90 = arith.constant 512 : i32
    %dma_wait3A_91 = arith.constant 0 : i32
    %dma_wait3A_92 = tpu.memref_slice %arg8[%dma_wait3A_90, %dma_wait3A_91] : memref<640x128xf32, #tpu.memory_space<vmem>> -> memref<128x128xf32, #tpu.memory_space<vmem>>
    %dma_wait3A_93 = arith.constant 0 : i32
    %dma_wait3A_94 = tpu.memref_slice %arg6[%dma_wait3A_89, %dma_wait3A_93] : memref<5x128xi32, #tpu.memory_space<vmem>> -> memref<1x128xi32, #tpu.memory_space<vmem>>
    %dma_wait3A_95 = tpu.memref_squeeze %dma_wait3A_94 : memref<1x128xi32, #tpu.memory_space<vmem>> -> memref<128xi32, #tpu.memory_space<vmem>>
    %dma_wait3A_96 = arith.constant 0 : i32
    %dma_wait3A_97 = arith.constant 0 : i32
    %dma_wait3A_98 = tpu.memref_slice %arg2[%dma_wait3A_96, %dma_wait3A_97] : memref<1000x128xf32, #tpu.memory_space<hbm>> -> memref<1000x128xf32, #tpu.memory_space<hbm>>
    tpu.wait_indirect_dma semaphore(%arg9 : memref<!tpu.dma_semaphore, #tpu.memory_space<semaphore_mem>>) src(%dma_wait3A_98 : memref<1000x128xf32, #tpu.memory_space<hbm>>) dst(%dma_wait3A_92 : memref<128x128xf32, #tpu.memory_space<vmem>>)
    %dma_start3A_99 = arith.constant 0 : i32
    %dma_start3A_100 = arith.constant 0 : i32
    %dma_start3A_101 = arith.constant 0 : i32
    %dma_start3A_102 = tpu.memref_slice %arg8[%dma_start3A_100, %dma_start3A_101] : memref<640x128xf32, #tpu.memory_space<vmem>> -> memref<128x128xf32, #tpu.memory_space<vmem>>
    %dma_start3A_103 = arith.constant 0 : i32
    %dma_start3A_104 = tpu.memref_slice %arg7[%dma_start3A_99, %dma_start3A_103] : memref<5x128xi32, #tpu.memory_space<vmem>> -> memref<1x128xi32, #tpu.memory_space<vmem>>
    %dma_start3A_105 = tpu.memref_squeeze %dma_start3A_104 : memref<1x128xi32, #tpu.memory_space<vmem>> -> memref<128xi32, #tpu.memory_space<vmem>>
    %dma_start3A_106 = arith.constant 0 : i32
    %dma_start3A_107 = arith.constant 0 : i32
    %dma_start3A_108 = tpu.memref_slice %arg5[%dma_start3A_106, %dma_start3A_107] : memref<20480x128xf32, #tpu.memory_space<hbm>> -> memref<20480x128xf32, #tpu.memory_space<hbm>>
    tpu.enqueue_indirect_dma source(%dma_start3A_102 : memref<128x128xf32, #tpu.memory_space<vmem>>) target(%dma_start3A_108 : memref<20480x128xf32, #tpu.memory_space<hbm>>) offsets(%dma_start3A_105 : memref<128xi32, #tpu.memory_space<vmem>>) semaphore(%arg10 : memref<!tpu.dma_semaphore, #tpu.memory_space<semaphore_mem>>)
    %dma_start3A_109 = arith.constant 1 : i32
    %dma_start3A_110 = arith.constant 128 : i32
    %dma_start3A_111 = arith.constant 0 : i32
    %dma_start3A_112 = tpu.memref_slice %arg8[%dma_start3A_110, %dma_start3A_111] : memref<640x128xf32, #tpu.memory_space<vmem>> -> memref<128x128xf32, #tpu.memory_space<vmem>>
    %dma_start3A_113 = arith.constant 0 : i32
    %dma_start3A_114 = tpu.memref_slice %arg7[%dma_start3A_109, %dma_start3A_113] : memref<5x128xi32, #tpu.memory_space<vmem>> -> memref<1x128xi32, #tpu.memory_space<vmem>>
    %dma_start3A_115 = tpu.memref_squeeze %dma_start3A_114 : memref<1x128xi32, #tpu.memory_space<vmem>> -> memref<128xi32, #tpu.memory_space<vmem>>
    %dma_start3A_116 = arith.constant 0 : i32
    %dma_start3A_117 = arith.constant 0 : i32
    %dma_start3A_118 = tpu.memref_slice %arg5[%dma_start3A_116, %dma_start3A_117] : memref<20480x128xf32, #tpu.memory_space<hbm>> -> memref<20480x128xf32, #tpu.memory_space<hbm>>
    tpu.enqueue_indirect_dma source(%dma_start3A_112 : memref<128x128xf32, #tpu.memory_space<vmem>>) target(%dma_start3A_118 : memref<20480x128xf32, #tpu.memory_space<hbm>>) offsets(%dma_start3A_115 : memref<128xi32, #tpu.memory_space<vmem>>) semaphore(%arg10 : memref<!tpu.dma_semaphore, #tpu.memory_space<semaphore_mem>>)
    %dma_start3A_119 = arith.constant 2 : i32
    %dma_start3A_120 = arith.constant 256 : i32
    %dma_start3A_121 = arith.constant 0 : i32
    %dma_start3A_122 = tpu.memref_slice %arg8[%dma_start3A_120, %dma_start3A_121] : memref<640x128xf32, #tpu.memory_space<vmem>> -> memref<128x128xf32, #tpu.memory_space<vmem>>
    %dma_start3A_123 = arith.constant 0 : i32
    %dma_start3A_124 = tpu.memref_slice %arg7[%dma_start3A_119, %dma_start3A_123] : memref<5x128xi32, #tpu.memory_space<vmem>> -> memref<1x128xi32, #tpu.memory_space<vmem>>
    %dma_start3A_125 = tpu.memref_squeeze %dma_start3A_124 : memref<1x128xi32, #tpu.memory_space<vmem>> -> memref<128xi32, #tpu.memory_space<vmem>>
    %dma_start3A_126 = arith.constant 0 : i32
    %dma_start3A_127 = arith.constant 0 : i32
    %dma_start3A_128 = tpu.memref_slice %arg5[%dma_start3A_126, %dma_start3A_127] : memref<20480x128xf32, #tpu.memory_space<hbm>> -> memref<20480x128xf32, #tpu.memory_space<hbm>>
    tpu.enqueue_indirect_dma source(%dma_start3A_122 : memref<128x128xf32, #tpu.memory_space<vmem>>) target(%dma_start3A_128 : memref<20480x128xf32, #tpu.memory_space<hbm>>) offsets(%dma_start3A_125 : memref<128xi32, #tpu.memory_space<vmem>>) semaphore(%arg10 : memref<!tpu.dma_semaphore, #tpu.memory_space<semaphore_mem>>)
    %dma_start3A_129 = arith.constant 3 : i32
    %dma_start3A_130 = arith.constant 384 : i32
    %dma_start3A_131 = arith.constant 0 : i32
    %dma_start3A_132 = tpu.memref_slice %arg8[%dma_start3A_130, %dma_start3A_131] : memref<640x128xf32, #tpu.memory_space<vmem>> -> memref<128x128xf32, #tpu.memory_space<vmem>>
    %dma_start3A_133 = arith.constant 0 : i32
    %dma_start3A_134 = tpu.memref_slice %arg7[%dma_start3A_129, %dma_start3A_133] : memref<5x128xi32, #tpu.memory_space<vmem>> -> memref<1x128xi32, #tpu.memory_space<vmem>>
    %dma_start3A_135 = tpu.memref_squeeze %dma_start3A_134 : memref<1x128xi32, #tpu.memory_space<vmem>> -> memref<128xi32, #tpu.memory_space<vmem>>
    %dma_start3A_136 = arith.constant 0 : i32
    %dma_start3A_137 = arith.constant 0 : i32
    %dma_start3A_138 = tpu.memref_slice %arg5[%dma_start3A_136, %dma_start3A_137] : memref<20480x128xf32, #tpu.memory_space<hbm>> -> memref<20480x128xf32, #tpu.memory_space<hbm>>
    tpu.enqueue_indirect_dma source(%dma_start3A_132 : memref<128x128xf32, #tpu.memory_space<vmem>>) target(%dma_start3A_138 : memref<20480x128xf32, #tpu.memory_space<hbm>>) offsets(%dma_start3A_135 : memref<128xi32, #tpu.memory_space<vmem>>) semaphore(%arg10 : memref<!tpu.dma_semaphore, #tpu.memory_space<semaphore_mem>>)
    %dma_start3A_139 = arith.constant 4 : i32
    %dma_start3A_140 = arith.constant 512 : i32
    %dma_start3A_141 = arith.constant 0 : i32
    %dma_start3A_142 = tpu.memref_slice %arg8[%dma_start3A_140, %dma_start3A_141] : memref<640x128xf32, #tpu.memory_space<vmem>> -> memref<128x128xf32, #tpu.memory_space<vmem>>
    %dma_start3A_143 = arith.constant 0 : i32
    %dma_start3A_144 = tpu.memref_slice %arg7[%dma_start3A_139, %dma_start3A_143] : memref<5x128xi32, #tpu.memory_space<vmem>> -> memref<1x128xi32, #tpu.memory_space<vmem>>
    %dma_start3A_145 = tpu.memref_squeeze %dma_start3A_144 : memref<1x128xi32, #tpu.memory_space<vmem>> -> memref<128xi32, #tpu.memory_space<vmem>>
    %dma_start3A_146 = arith.constant 0 : i32
    %dma_start3A_147 = arith.constant 0 : i32
    %dma_start3A_148 = tpu.memref_slice %arg5[%dma_start3A_146, %dma_start3A_147] : memref<20480x128xf32, #tpu.memory_space<hbm>> -> memref<20480x128xf32, #tpu.memory_space<hbm>>
    tpu.enqueue_indirect_dma source(%dma_start3A_142 : memref<128x128xf32, #tpu.memory_space<vmem>>) target(%dma_start3A_148 : memref<20480x128xf32, #tpu.memory_space<hbm>>) offsets(%dma_start3A_145 : memref<128xi32, #tpu.memory_space<vmem>>) semaphore(%arg10 : memref<!tpu.dma_semaphore, #tpu.memory_space<semaphore_mem>>)
    %dma_wait3A_149 = arith.constant 0 : i32
    %dma_wait3A_150 = arith.constant 0 : i32
    %dma_wait3A_151 = arith.constant 0 : i32
    %dma_wait3A_152 = tpu.memref_slice %arg8[%dma_wait3A_150, %dma_wait3A_151] : memref<640x128xf32, #tpu.memory_space<vmem>> -> memref<128x128xf32, #tpu.memory_space<vmem>>
    %dma_wait3A_153 = arith.constant 0 : i32
    %dma_wait3A_154 = tpu.memref_slice %arg7[%dma_wait3A_149, %dma_wait3A_153] : memref<5x128xi32, #tpu.memory_space<vmem>> -> memref<1x128xi32, #tpu.memory_space<vmem>>
    %dma_wait3A_155 = tpu.memref_squeeze %dma_wait3A_154 : memref<1x128xi32, #tpu.memory_space<vmem>> -> memref<128xi32, #tpu.memory_space<vmem>>
    %dma_wait3A_156 = arith.constant 0 : i32
    %dma_wait3A_157 = arith.constant 0 : i32
    %dma_wait3A_158 = tpu.memref_slice %arg5[%dma_wait3A_156, %dma_wait3A_157] : memref<20480x128xf32, #tpu.memory_space<hbm>> -> memref<20480x128xf32, #tpu.memory_space<hbm>>
    tpu.wait_indirect_dma semaphore(%arg10 : memref<!tpu.dma_semaphore, #tpu.memory_space<semaphore_mem>>) src(%dma_wait3A_152 : memref<128x128xf32, #tpu.memory_space<vmem>>) dst(%dma_wait3A_158 : memref<20480x128xf32, #tpu.memory_space<hbm>>)
    %dma_wait3A_159 = arith.constant 1 : i32
    %dma_wait3A_160 = arith.constant 128 : i32
    %dma_wait3A_161 = arith.constant 0 : i32
    %dma_wait3A_162 = tpu.memref_slice %arg8[%dma_wait3A_160, %dma_wait3A_161] : memref<640x128xf32, #tpu.memory_space<vmem>> -> memref<128x128xf32, #tpu.memory_space<vmem>>
    %dma_wait3A_163 = arith.constant 0 : i32
    %dma_wait3A_164 = tpu.memref_slice %arg7[%dma_wait3A_159, %dma_wait3A_163] : memref<5x128xi32, #tpu.memory_space<vmem>> -> memref<1x128xi32, #tpu.memory_space<vmem>>
    %dma_wait3A_165 = tpu.memref_squeeze %dma_wait3A_164 : memref<1x128xi32, #tpu.memory_space<vmem>> -> memref<128xi32, #tpu.memory_space<vmem>>
    %dma_wait3A_166 = arith.constant 0 : i32
    %dma_wait3A_167 = arith.constant 0 : i32
    %dma_wait3A_168 = tpu.memref_slice %arg5[%dma_wait3A_166, %dma_wait3A_167] : memref<20480x128xf32, #tpu.memory_space<hbm>> -> memref<20480x128xf32, #tpu.memory_space<hbm>>
    tpu.wait_indirect_dma semaphore(%arg10 : memref<!tpu.dma_semaphore, #tpu.memory_space<semaphore_mem>>) src(%dma_wait3A_162 : memref<128x128xf32, #tpu.memory_space<vmem>>) dst(%dma_wait3A_168 : memref<20480x128xf32, #tpu.memory_space<hbm>>)
    %dma_wait3A_169 = arith.constant 2 : i32
    %dma_wait3A_170 = arith.constant 256 : i32
    %dma_wait3A_171 = arith.constant 0 : i32
    %dma_wait3A_172 = tpu.memref_slice %arg8[%dma_wait3A_170, %dma_wait3A_171] : memref<640x128xf32, #tpu.memory_space<vmem>> -> memref<128x128xf32, #tpu.memory_space<vmem>>
    %dma_wait3A_173 = arith.constant 0 : i32
    %dma_wait3A_174 = tpu.memref_slice %arg7[%dma_wait3A_169, %dma_wait3A_173] : memref<5x128xi32, #tpu.memory_space<vmem>> -> memref<1x128xi32, #tpu.memory_space<vmem>>
    %dma_wait3A_175 = tpu.memref_squeeze %dma_wait3A_174 : memref<1x128xi32, #tpu.memory_space<vmem>> -> memref<128xi32, #tpu.memory_space<vmem>>
    %dma_wait3A_176 = arith.constant 0 : i32
    %dma_wait3A_177 = arith.constant 0 : i32
    %dma_wait3A_178 = tpu.memref_slice %arg5[%dma_wait3A_176, %dma_wait3A_177] : memref<20480x128xf32, #tpu.memory_space<hbm>> -> memref<20480x128xf32, #tpu.memory_space<hbm>>
    tpu.wait_indirect_dma semaphore(%arg10 : memref<!tpu.dma_semaphore, #tpu.memory_space<semaphore_mem>>) src(%dma_wait3A_172 : memref<128x128xf32, #tpu.memory_space<vmem>>) dst(%dma_wait3A_178 : memref<20480x128xf32, #tpu.memory_space<hbm>>)
    %dma_wait3A_179 = arith.constant 3 : i32
    %dma_wait3A_180 = arith.constant 384 : i32
    %dma_wait3A_181 = arith.constant 0 : i32
    %dma_wait3A_182 = tpu.memref_slice %arg8[%dma_wait3A_180, %dma_wait3A_181] : memref<640x128xf32, #tpu.memory_space<vmem>> -> memref<128x128xf32, #tpu.memory_space<vmem>>
    %dma_wait3A_183 = arith.constant 0 : i32
    %dma_wait3A_184 = tpu.memref_slice %arg7[%dma_wait3A_179, %dma_wait3A_183] : memref<5x128xi32, #tpu.memory_space<vmem>> -> memref<1x128xi32, #tpu.memory_space<vmem>>
    %dma_wait3A_185 = tpu.memref_squeeze %dma_wait3A_184 : memref<1x128xi32, #tpu.memory_space<vmem>> -> memref<128xi32, #tpu.memory_space<vmem>>
    %dma_wait3A_186 = arith.constant 0 : i32
    %dma_wait3A_187 = arith.constant 0 : i32
    %dma_wait3A_188 = tpu.memref_slice %arg5[%dma_wait3A_186, %dma_wait3A_187] : memref<20480x128xf32, #tpu.memory_space<hbm>> -> memref<20480x128xf32, #tpu.memory_space<hbm>>
    tpu.wait_indirect_dma semaphore(%arg10 : memref<!tpu.dma_semaphore, #tpu.memory_space<semaphore_mem>>) src(%dma_wait3A_182 : memref<128x128xf32, #tpu.memory_space<vmem>>) dst(%dma_wait3A_188 : memref<20480x128xf32, #tpu.memory_space<hbm>>)
    %dma_wait3A_189 = arith.constant 4 : i32
    %dma_wait3A_190 = arith.constant 512 : i32
    %dma_wait3A_191 = arith.constant 0 : i32
    %dma_wait3A_192 = tpu.memref_slice %arg8[%dma_wait3A_190, %dma_wait3A_191] : memref<640x128xf32, #tpu.memory_space<vmem>> -> memref<128x128xf32, #tpu.memory_space<vmem>>
    %dma_wait3A_193 = arith.constant 0 : i32
    %dma_wait3A_194 = tpu.memref_slice %arg7[%dma_wait3A_189, %dma_wait3A_193] : memref<5x128xi32, #tpu.memory_space<vmem>> -> memref<1x128xi32, #tpu.memory_space<vmem>>
    %dma_wait3A_195 = tpu.memref_squeeze %dma_wait3A_194 : memref<1x128xi32, #tpu.memory_space<vmem>> -> memref<128xi32, #tpu.memory_space<vmem>>
    %dma_wait3A_196 = arith.constant 0 : i32
    %dma_wait3A_197 = arith.constant 0 : i32
    %dma_wait3A_198 = tpu.memref_slice %arg5[%dma_wait3A_196, %dma_wait3A_197] : memref<20480x128xf32, #tpu.memory_space<hbm>> -> memref<20480x128xf32, #tpu.memory_space<hbm>>
    tpu.wait_indirect_dma semaphore(%arg10 : memref<!tpu.dma_semaphore, #tpu.memory_space<semaphore_mem>>) src(%dma_wait3A_192 : memref<128x128xf32, #tpu.memory_space<vmem>>) dst(%dma_wait3A_198 : memref<20480x128xf32, #tpu.memory_space<hbm>>)
    return
  }
}

module attributes {stable_mosaic.version = 14 : i64} {
  func.func @body(%arg0: i32, %arg1: memref<1x1024x128xf32, #tpu.memory_space<vmem>>, %arg2: memref<128x384xf32, #tpu.memory_space<vmem>>, %arg3: memref<128x384xf32, #tpu.memory_space<vmem>>, %arg4: memref<2x384xf32, #tpu.memory_space<vmem>>, %arg5: memref<128x384xf32, #tpu.memory_space<vmem>>, %arg6: memref<128x384xf32, #tpu.memory_space<vmem>>, %arg7: memref<2x384xf32, #tpu.memory_space<vmem>>, %arg8: memref<1000x128xf32, #tpu.memory_space<vmem>>, %arg9: memref<1000x1xf32, #tpu.memory_space<vmem>>, %arg10: memref<1x1000x1024xf32, #tpu.memory_space<vmem>>, %arg11: memref<1024x128xf32, #tpu.memory_space<vmem>>, %arg12: memref<1024x128xf32, #tpu.memory_space<vmem>>) attributes {dimension_semantics = [#tpu.dimension_semantics<arbitrary>], iteration_bounds = array<i64: 20>, scalar_prefetch = 0 : i64, scratch_operands = 2 : i64, tpu.core_type = #tpu.core_type<tc>, window_params = [{transform_indices = @transform_0, window_bounds = array<i64: 1, 1024, 128>}, {pipeline_mode = #tpu.pipeline_mode<synchronous>, transform_indices = @transform_1, window_bounds = array<i64: 128, 384>}, {pipeline_mode = #tpu.pipeline_mode<synchronous>, transform_indices = @transform_2, window_bounds = array<i64: 128, 384>}, {pipeline_mode = #tpu.pipeline_mode<synchronous>, transform_indices = @transform_3, window_bounds = array<i64: 2, 384>}, {pipeline_mode = #tpu.pipeline_mode<synchronous>, transform_indices = @transform_4, window_bounds = array<i64: 128, 384>}, {pipeline_mode = #tpu.pipeline_mode<synchronous>, transform_indices = @transform_5, window_bounds = array<i64: 128, 384>}, {pipeline_mode = #tpu.pipeline_mode<synchronous>, transform_indices = @transform_6, window_bounds = array<i64: 2, 384>}, {pipeline_mode = #tpu.pipeline_mode<synchronous>, transform_indices = @transform_7, window_bounds = array<i64: 1000, 128>}, {pipeline_mode = #tpu.pipeline_mode<synchronous>, transform_indices = @transform_8, window_bounds = array<i64: 1000, 1>}, {transform_indices = @transform_9, window_bounds = array<i64: 1, 1000, 1024>}]} {
    %eq3A = arith.constant 0 : i32
    %eq3A_0 = arith.cmpi eq, %arg0, %eq3A : i32
    %convert_element_type3A = arith.extui %eq3A_0 : i1 to i32
    %cond3A = arith.constant 0 : i32
    %cond3A_1 = arith.cmpi ne, %convert_element_type3A, %cond3A : i32
    scf.if %cond3A_1 {
      %broadcast_in_dim3A = arith.constant 0.000000e+00 : f32
      %broadcast_in_dim3A_134 = vector.broadcast %broadcast_in_dim3A : f32 to vector<1024x128xf32>
      %swap3A_135 = arith.constant 0 : index
      %swap3A_136 = arith.constant 0 : index
      %swap3A_137 = vector.load %arg11[%swap3A_135, %swap3A_136] : memref<1024x128xf32, #tpu.memory_space<vmem>>, vector<1024x128xf32>
      tpu.vector_store %arg11[%swap3A_135, %swap3A_136], %broadcast_in_dim3A_134 {strides = array<i32>} : memref<1024x128xf32, #tpu.memory_space<vmem>>, vector<1024x128xf32>,
      %broadcast_in_dim3A_138 = arith.constant 0.000000e+00 : f32
      %broadcast_in_dim3A_139 = vector.broadcast %broadcast_in_dim3A_138 : f32 to vector<1024x128xf32>
      %swap3A_140 = arith.constant 0 : index
      %swap3A_141 = arith.constant 0 : index
      %swap3A_142 = vector.load %arg12[%swap3A_140, %swap3A_141] : memref<1024x128xf32, #tpu.memory_space<vmem>>, vector<1024x128xf32>
      tpu.vector_store %arg12[%swap3A_140, %swap3A_141], %broadcast_in_dim3A_139 {strides = array<i32>} : memref<1024x128xf32, #tpu.memory_space<vmem>>, vector<1024x128xf32>,
    } else {
    }
    %get3A = arith.constant 0 : index
    %get3A_2 = arith.constant 0 : index
    %get3A_3 = vector.load %arg2[%get3A, %get3A_2] : memref<128x384xf32, #tpu.memory_space<vmem>>, vector<128x384xf32>
    %convert_element_type3A_4 = arith.truncf %get3A_3 : vector<128x384xf32> to vector<128x384xbf16>
    %get3A_5 = arith.constant 0 : index
    %get3A_6 = arith.constant 0 : index
    %get3A_7 = vector.load %arg3[%get3A_5, %get3A_6] : memref<128x384xf32, #tpu.memory_space<vmem>>, vector<128x384xf32>
    %convert_element_type3A_8 = arith.truncf %get3A_7 : vector<128x384xf32> to vector<128x384xbf16>
    %get3A_9 = arith.constant 0 : index
    %get3A_10 = arith.constant 0 : index
    %get3A_11 = vector.load %arg5[%get3A_9, %get3A_10] : memref<128x384xf32, #tpu.memory_space<vmem>>, vector<128x384xf32>
    %convert_element_type3A_12 = arith.truncf %get3A_11 : vector<128x384xf32> to vector<128x384xbf16>
    %get3A_13 = arith.constant 0 : index
    %get3A_14 = arith.constant 0 : index
    %get3A_15 = vector.load %arg6[%get3A_13, %get3A_14] : memref<128x384xf32, #tpu.memory_space<vmem>>, vector<128x384xf32>
    %convert_element_type3A_16 = arith.truncf %get3A_15 : vector<128x384xf32> to vector<128x384xbf16>
    %get3A_17 = arith.constant 0 : index
    %get3A_18 = arith.constant 0 : index
    %get3A_19 = vector.load %arg4[%get3A_17, %get3A_18] : memref<2x384xf32, #tpu.memory_space<vmem>>, vector<1x384xf32>
    %get3A_20 = arith.constant 1 : index
    %get3A_21 = arith.constant 0 : index
    %get3A_22 = vector.load %arg4[%get3A_20, %get3A_21] : memref<2x384xf32, #tpu.memory_space<vmem>>, vector<1x384xf32>
    %get3A_23 = arith.constant 0 : index
    %get3A_24 = arith.constant 0 : index
    %get3A_25 = vector.load %arg7[%get3A_23, %get3A_24] : memref<2x384xf32, #tpu.memory_space<vmem>>, vector<1x384xf32>
    %get3A_26 = arith.constant 1 : index
    %get3A_27 = arith.constant 0 : index
    %get3A_28 = vector.load %arg7[%get3A_26, %get3A_27] : memref<2x384xf32, #tpu.memory_space<vmem>>, vector<1x384xf32>
    %get3A_29 = arith.constant 0 : index
    %get3A_30 = arith.constant 0 : index
    %get3A_31 = arith.constant 0 : index
    %get3A_32 = vector.load %arg1[%get3A_29, %get3A_30, %get3A_31] : memref<1x1024x128xf32, #tpu.memory_space<vmem>>, vector<1x1024x128xf32>
    %get3A_33 = vector.shape_cast %get3A_32 : vector<1x1024x128xf32> to vector<1024x128xf32>
    %convert_element_type3A_34 = arith.truncf %get3A_33 : vector<1024x128xf32> to vector<1024x128xbf16>
    %dot_general3A = arith.constant dense<0.000000e+00> : vector<1024x384xf32>
    %dot_general3A_35 = tpu.matmul %convert_element_type3A_34, %convert_element_type3A_4, %dot_general3A {dimension_numbers = #tpu.dot_dimension_numbers<[1], [0], [0], [1], [0, 0, 1, 1], [], []>, transpose_lhs_hint = false} : vector<1024x128xbf16>, vector<128x384xbf16>, vector<1024x384xf32> -> vector<1024x384xf32>
    %add3A = vector.broadcast %get3A_19 : vector<1x384xf32> to vector<1024x384xf32>
    %add3A_36 = arith.addf %dot_general3A_35, %add3A : vector<1024x384xf32>
    %get3A_37 = arith.constant 0 : index
    %get3A_38 = arith.constant 0 : index
    %get3A_39 = vector.load %arg11[%get3A_37, %get3A_38] : memref<1024x128xf32, #tpu.memory_space<vmem>>, vector<1024x128xf32>
    %convert_element_type3A_40 = arith.truncf %get3A_39 : vector<1024x128xf32> to vector<1024x128xbf16>
    %dot_general3A_41 = arith.constant dense<0.000000e+00> : vector<1024x384xf32>
    %dot_general3A_42 = tpu.matmul %convert_element_type3A_40, %convert_element_type3A_8, %dot_general3A_41 {dimension_numbers = #tpu.dot_dimension_numbers<[1], [0], [0], [1], [0, 0, 1, 1], [], []>, transpose_lhs_hint = false} : vector<1024x128xbf16>, vector<128x384xbf16>, vector<1024x384xf32> -> vector<1024x384xf32>
    %add3A_43 = vector.broadcast %get3A_22 : vector<1x384xf32> to vector<1024x384xf32>
    %add3A_44 = arith.addf %dot_general3A_42, %add3A_43 : vector<1024x384xf32>
    %slice3A = vector.extract_strided_slice %add3A_36 {offsets = [0, 0], sizes = [1024, 128], strides = [1, 1]} : vector<1024x384xf32> to vector<1024x128xf32>
    %slice3A_45 = vector.extract_strided_slice %add3A_44 {offsets = [0, 0], sizes = [1024, 128], strides = [1, 1]} : vector<1024x384xf32> to vector<1024x128xf32>
    %add3A_46 = arith.addf %slice3A, %slice3A_45 : vector<1024x128xf32>
    %logistic3A = arith.negf %add3A_46 : vector<1024x128xf32>
    %logistic3A_47 = math.exp %logistic3A : vector<1024x128xf32>
    %logistic3A_48 = arith.constant 1.000000e+00 : f32
    %logistic3A_49 = vector.broadcast %logistic3A_48 : f32 to vector<1024x128xf32>
    %logistic3A_50 = arith.addf %logistic3A_49, %logistic3A_47 : vector<1024x128xf32>
    %logistic3A_51 = arith.divf %logistic3A_49, %logistic3A_50 : vector<1024x128xf32>
    %slice3A_52 = vector.extract_strided_slice %add3A_36 {offsets = [0, 128], sizes = [1024, 128], strides = [1, 1]} : vector<1024x384xf32> to vector<1024x128xf32>
    %slice3A_53 = vector.extract_strided_slice %add3A_44 {offsets = [0, 128], sizes = [1024, 128], strides = [1, 1]} : vector<1024x384xf32> to vector<1024x128xf32>
    %add3A_54 = arith.addf %slice3A_52, %slice3A_53 : vector<1024x128xf32>
    %logistic3A_55 = arith.negf %add3A_54 : vector<1024x128xf32>
    %logistic3A_56 = math.exp %logistic3A_55 : vector<1024x128xf32>
    %logistic3A_57 = arith.constant 1.000000e+00 : f32
    %logistic3A_58 = vector.broadcast %logistic3A_57 : f32 to vector<1024x128xf32>
    %logistic3A_59 = arith.addf %logistic3A_58, %logistic3A_56 : vector<1024x128xf32>
    %logistic3A_60 = arith.divf %logistic3A_58, %logistic3A_59 : vector<1024x128xf32>
    %slice3A_61 = vector.extract_strided_slice %add3A_36 {offsets = [0, 256], sizes = [1024, 128], strides = [1, 1]} : vector<1024x384xf32> to vector<1024x128xf32>
    %slice3A_62 = vector.extract_strided_slice %add3A_44 {offsets = [0, 256], sizes = [1024, 128], strides = [1, 1]} : vector<1024x384xf32> to vector<1024x128xf32>
    %mul3A = arith.mulf %logistic3A_60, %slice3A_62 : vector<1024x128xf32>
    %add3A_63 = arith.addf %slice3A_61, %mul3A : vector<1024x128xf32>
    %tanh3A = math.tanh %add3A_63 : vector<1024x128xf32>
    %sub3A = arith.constant 1.000000e+00 : f32
    %sub3A_64 = vector.broadcast %sub3A : f32 to vector<1024x128xf32>
    %sub3A_65 = arith.subf %sub3A_64, %logistic3A_51 : vector<1024x128xf32>
    %sub3A_66 = arith.subf %tanh3A, %get3A_39 : vector<1024x128xf32>
    %mul3A_67 = arith.mulf %sub3A_65, %sub3A_66 : vector<1024x128xf32>
    %add3A_68 = arith.addf %get3A_39, %mul3A_67 : vector<1024x128xf32>
    %swap3A = arith.constant 0 : index
    %swap3A_69 = arith.constant 0 : index
    %swap3A_70 = vector.load %arg11[%swap3A, %swap3A_69] : memref<1024x128xf32, #tpu.memory_space<vmem>>, vector<1024x128xf32>
    tpu.vector_store %arg11[%swap3A, %swap3A_69], %add3A_68 {strides = array<i32>} : memref<1024x128xf32, #tpu.memory_space<vmem>>, vector<1024x128xf32>,
    %convert_element_type3A_71 = arith.truncf %add3A_68 : vector<1024x128xf32> to vector<1024x128xbf16>
    %dot_general3A_72 = arith.constant dense<0.000000e+00> : vector<1024x384xf32>
    %dot_general3A_73 = tpu.matmul %convert_element_type3A_71, %convert_element_type3A_12, %dot_general3A_72 {dimension_numbers = #tpu.dot_dimension_numbers<[1], [0], [0], [1], [0, 0, 1, 1], [], []>, transpose_lhs_hint = false} : vector<1024x128xbf16>, vector<128x384xbf16>, vector<1024x384xf32> -> vector<1024x384xf32>
    %add3A_74 = vector.broadcast %get3A_25 : vector<1x384xf32> to vector<1024x384xf32>
    %add3A_75 = arith.addf %dot_general3A_73, %add3A_74 : vector<1024x384xf32>
    %get3A_76 = arith.constant 0 : index
    %get3A_77 = arith.constant 0 : index
    %get3A_78 = vector.load %arg12[%get3A_76, %get3A_77] : memref<1024x128xf32, #tpu.memory_space<vmem>>, vector<1024x128xf32>
    %convert_element_type3A_79 = arith.truncf %get3A_78 : vector<1024x128xf32> to vector<1024x128xbf16>
    %dot_general3A_80 = arith.constant dense<0.000000e+00> : vector<1024x384xf32>
    %dot_general3A_81 = tpu.matmul %convert_element_type3A_79, %convert_element_type3A_16, %dot_general3A_80 {dimension_numbers = #tpu.dot_dimension_numbers<[1], [0], [0], [1], [0, 0, 1, 1], [], []>, transpose_lhs_hint = false} : vector<1024x128xbf16>, vector<128x384xbf16>, vector<1024x384xf32> -> vector<1024x384xf32>
    %add3A_82 = vector.broadcast %get3A_28 : vector<1x384xf32> to vector<1024x384xf32>
    %add3A_83 = arith.addf %dot_general3A_81, %add3A_82 : vector<1024x384xf32>
    %slice3A_84 = vector.extract_strided_slice %add3A_75 {offsets = [0, 0], sizes = [1024, 128], strides = [1, 1]} : vector<1024x384xf32> to vector<1024x128xf32>
    %slice3A_85 = vector.extract_strided_slice %add3A_83 {offsets = [0, 0], sizes = [1024, 128], strides = [1, 1]} : vector<1024x384xf32> to vector<1024x128xf32>
    %add3A_86 = arith.addf %slice3A_84, %slice3A_85 : vector<1024x128xf32>
    %logistic3A_87 = arith.negf %add3A_86 : vector<1024x128xf32>
    %logistic3A_88 = math.exp %logistic3A_87 : vector<1024x128xf32>
    %logistic3A_89 = arith.constant 1.000000e+00 : f32
    %logistic3A_90 = vector.broadcast %logistic3A_89 : f32 to vector<1024x128xf32>
    %logistic3A_91 = arith.addf %logistic3A_90, %logistic3A_88 : vector<1024x128xf32>
    %logistic3A_92 = arith.divf %logistic3A_90, %logistic3A_91 : vector<1024x128xf32>
    %slice3A_93 = vector.extract_strided_slice %add3A_75 {offsets = [0, 128], sizes = [1024, 128], strides = [1, 1]} : vector<1024x384xf32> to vector<1024x128xf32>
    %slice3A_94 = vector.extract_strided_slice %add3A_83 {offsets = [0, 128], sizes = [1024, 128], strides = [1, 1]} : vector<1024x384xf32> to vector<1024x128xf32>
    %add3A_95 = arith.addf %slice3A_93, %slice3A_94 : vector<1024x128xf32>
    %logistic3A_96 = arith.negf %add3A_95 : vector<1024x128xf32>
    %logistic3A_97 = math.exp %logistic3A_96 : vector<1024x128xf32>
    %logistic3A_98 = arith.constant 1.000000e+00 : f32
    %logistic3A_99 = vector.broadcast %logistic3A_98 : f32 to vector<1024x128xf32>
    %logistic3A_100 = arith.addf %logistic3A_99, %logistic3A_97 : vector<1024x128xf32>
    %logistic3A_101 = arith.divf %logistic3A_99, %logistic3A_100 : vector<1024x128xf32>
    %slice3A_102 = vector.extract_strided_slice %add3A_75 {offsets = [0, 256], sizes = [1024, 128], strides = [1, 1]} : vector<1024x384xf32> to vector<1024x128xf32>
    %slice3A_103 = vector.extract_strided_slice %add3A_83 {offsets = [0, 256], sizes = [1024, 128], strides = [1, 1]} : vector<1024x384xf32> to vector<1024x128xf32>
    %mul3A_104 = arith.mulf %logistic3A_101, %slice3A_103 : vector<1024x128xf32>
    %add3A_105 = arith.addf %slice3A_102, %mul3A_104 : vector<1024x128xf32>
    %tanh3A_106 = math.tanh %add3A_105 : vector<1024x128xf32>
    %sub3A_107 = arith.constant 1.000000e+00 : f32
    %sub3A_108 = vector.broadcast %sub3A_107 : f32 to vector<1024x128xf32>
    %sub3A_109 = arith.subf %sub3A_108, %logistic3A_92 : vector<1024x128xf32>
    %sub3A_110 = arith.subf %tanh3A_106, %get3A_78 : vector<1024x128xf32>
    %mul3A_111 = arith.mulf %sub3A_109, %sub3A_110 : vector<1024x128xf32>
    %add3A_112 = arith.addf %get3A_78, %mul3A_111 : vector<1024x128xf32>
    %swap3A_113 = arith.constant 0 : index
    %swap3A_114 = arith.constant 0 : index
    %swap3A_115 = vector.load %arg12[%swap3A_113, %swap3A_114] : memref<1024x128xf32, #tpu.memory_space<vmem>>, vector<1024x128xf32>
    tpu.vector_store %arg12[%swap3A_113, %swap3A_114], %add3A_112 {strides = array<i32>} : memref<1024x128xf32, #tpu.memory_space<vmem>>, vector<1024x128xf32>,
    %get3A_116 = arith.constant 0 : index
    %get3A_117 = arith.constant 0 : index
    %get3A_118 = vector.load %arg8[%get3A_116, %get3A_117] : memref<1000x128xf32, #tpu.memory_space<vmem>>, vector<1000x128xf32>
    %convert_element_type3A_119 = arith.truncf %get3A_118 : vector<1000x128xf32> to vector<1000x128xbf16>
    %convert_element_type3A_120 = arith.truncf %add3A_112 : vector<1024x128xf32> to vector<1024x128xbf16>
    %dot_general3A_121 = arith.constant dense<0.000000e+00> : vector<1000x1024xf32>
    %dot_general3A_122 = tpu.matmul %convert_element_type3A_119, %convert_element_type3A_120, %dot_general3A_121 {dimension_numbers = #tpu.dot_dimension_numbers<[1], [1], [0], [0], [0, 0, 1, 0], [], []>, transpose_lhs_hint = false} : vector<1000x128xbf16>, vector<1024x128xbf16>, vector<1000x1024xf32> -> vector<1000x1024xf32>
    %get3A_123 = arith.constant 0 : index
    %get3A_124 = arith.constant 0 : index
    %get3A_125 = vector.load %arg9[%get3A_123, %get3A_124] : memref<1000x1xf32, #tpu.memory_space<vmem>>, vector<1000x1xf32>
    %add3A_126 = vector.broadcast %get3A_125 : vector<1000x1xf32> to vector<1000x1024xf32>
    %add3A_127 = arith.addf %dot_general3A_122, %add3A_126 : vector<1000x1024xf32>
    %swap3A_128 = arith.constant 0 : index
    %swap3A_129 = arith.constant 0 : index
    %swap3A_130 = arith.constant 0 : index
    %swap3A_131 = vector.load %arg10[%swap3A_128, %swap3A_129, %swap3A_130] : memref<1x1000x1024xf32, #tpu.memory_space<vmem>>, vector<1x1000x1024xf32>
    %swap3A_132 = vector.shape_cast %swap3A_131 : vector<1x1000x1024xf32> to vector<1000x1024xf32>
    %swap3A_133 = vector.shape_cast %add3A_127 : vector<1000x1024xf32> to vector<1x1000x1024xf32>
    tpu.vector_store %arg10[%swap3A_128, %swap3A_129, %swap3A_130], %swap3A_133 {strides = array<i32>} : memref<1x1000x1024xf32, #tpu.memory_space<vmem>>, vector<1x1000x1024xf32>,
    return
  }
  func.func @transform_0(%arg0: i32) -> (i32, i32, i32) {
    %c0_i32 = arith.constant 0 : i32
    %c0_i32_0 = arith.constant 0 : i32
    %c0_i32_1 = arith.constant 0 : i32
    return %arg0, %c0_i32, %c0_i32_0 : i32, i32, i32
  }
  func.func @transform_1(%arg0: i32) -> (i32, i32) {
    %c0_i32 = arith.constant 0 : i32
    %c0_i32_0 = arith.constant 0 : i32
    %c0_i32_1 = arith.constant 0 : i32
    return %c0_i32, %c0_i32_0 : i32, i32
  }
  func.func @transform_2(%arg0: i32) -> (i32, i32) {
    %c0_i32 = arith.constant 0 : i32
    %c0_i32_0 = arith.constant 0 : i32
    %c0_i32_1 = arith.constant 0 : i32
    return %c0_i32, %c0_i32_0 : i32, i32
  }
  func.func @transform_3(%arg0: i32) -> (i32, i32) {
    %c0_i32 = arith.constant 0 : i32
    %c0_i32_0 = arith.constant 0 : i32
    %c0_i32_1 = arith.constant 0 : i32
    return %c0_i32, %c0_i32_0 : i32, i32
  }
  func.func @transform_4(%arg0: i32) -> (i32, i32) {
    %c0_i32 = arith.constant 0 : i32
    %c0_i32_0 = arith.constant 0 : i32
    %c0_i32_1 = arith.constant 0 : i32
    return %c0_i32, %c0_i32_0 : i32, i32
  }
  func.func @transform_5(%arg0: i32) -> (i32, i32) {
    %c0_i32 = arith.constant 0 : i32
    %c0_i32_0 = arith.constant 0 : i32
    %c0_i32_1 = arith.constant 0 : i32
    return %c0_i32, %c0_i32_0 : i32, i32
  }
  func.func @transform_6(%arg0: i32) -> (i32, i32) {
    %c0_i32 = arith.constant 0 : i32
    %c0_i32_0 = arith.constant 0 : i32
    %c0_i32_1 = arith.constant 0 : i32
    return %c0_i32, %c0_i32_0 : i32, i32
  }
  func.func @transform_7(%arg0: i32) -> (i32, i32) {
    %c0_i32 = arith.constant 0 : i32
    %c0_i32_0 = arith.constant 0 : i32
    %c0_i32_1 = arith.constant 0 : i32
    return %c0_i32, %c0_i32_0 : i32, i32
  }
  func.func @transform_8(%arg0: i32) -> (i32, i32) {
    %c0_i32 = arith.constant 0 : i32
    %c0_i32_0 = arith.constant 0 : i32
    %c0_i32_1 = arith.constant 0 : i32
    return %c0_i32, %c0_i32_0 : i32, i32
  }
  func.func @transform_9(%arg0: i32) -> (i32, i32, i32) {
    %c0_i32 = arith.constant 0 : i32
    %c0_i32_0 = arith.constant 0 : i32
    %c0_i32_1 = arith.constant 0 : i32
    return %arg0, %c0_i32, %c0_i32_0 : i32, i32, i32
  }
}

</mosaic_0001>

<sc_bundles>
// kernel: kernel.4.cloned.1.call-start
scs
__scs_entry_jumppad:
0x0: {  	(pc) =	sbr.rel $0x88, $3  }
0x1: {  	(tag) =	ssettag $0x0;
	lr =	simm.s32 $0x1  }
0x2: {  	[smem:$0x3F97] =	sst lr;
	_ =	strace $0xD0000000  }
0x3: {  	_ = 	snop  }
0x4: {  	_ = 	snop  }
0x5: {  	_ = 	snop  }
0x6: {  	_ = 	snop  }
0x7: {  	_ = 	snop  }
__scs_overlays_trampoline_lowered:
0x8: {  	[smem:$0x3FA6] =	sst s0  }
0x9: {  	[smem:$0x3FA7] =	sst s1  }
0xa: {  	[smem:$0x3FA8] =	sst s2  }
0xb: {  	[smem:$0x3FA9] =	sst s3  }
0xc: {  	[smem:$0x3FAA] =	sst s4  }
0xd: {  	[smem:$0x3FAB] =	sst s5  }
0xe: {  	[smem:$0x3FAC] =	sst s6  }
0xf: {  	[smem:$0x3FAD] =	sst s7  }
0x10: {  	[smem:$0x3FAE] =	sst s8  }
0x11: {  	[smem:$0x3FAF] =	sst s9;
	s0 =	simm.s32 @!p0 $0x0  }
0x12: {  	s1 =	sld [smem:$0x3F95];
	s0 =	simm.s32 @p0 $0x1  }
0x13: {  	[smem:$0x3FB0] =	sst s0;
	s0 =	simm.s32 @!p1 $0x0  }
0x14: {  	s2 =	sld [smem:$0x3F94];
	s0 =	simm.s32 @p1 $0x1  }
0x15: {  	[smem:$0x3FB1] =	sst s0;
	s0 =	simm.s32 @!p2 $0x0  }
0x16: {  	s3 =	sld [smem:$0x3FDB];
	s0 =	simm.s32 @p2 $0x1  }
0x17: {  	s4 =	simm.s32 $0x1BF5;
	[smem:$0x3FB3] =	sst s0  }
0x18: {  	s0 =	sld [smem:$0x3F96];
	_ =	swait.ge [sflag:s4], $0x0  }
0x19: {  	s7 =	sld [smem:$0x3F97]  }
0x1a: {  	s8 =	sadd.s32 $0xFFFFE003, lr  }
0x1b: {  	s9 =	sadd.s32 $0xFFFFFEF7, lr;
	s5 =	simm.s32 $0xFFFFFFFF;
	p2 =	slt.u32 s8, $0xFFFFF086  }
0x1c: {  	p1 =	slt.u32 s9, $0xF7A;
	s5 =	simm.s32 @!p2 $0x0  }
0x1d: {  	s5 =	simm.s32 @p1 $0x1;
	p0 =	seq.s32 s7, s2  }
0x1e: {  	s7 =	smul.u32 @!p0 $0xF7A, s2;
	p2 =	seq.s32 @!p0 s5, $0x0  }
0x1f: {  	s9 =	smul.u32 $0xF7A, s1;
	s8 =	simm.s32 @!p0 $0x1BF5;
	p2 =	por !p2, p0  }
0x20: {  	[sflag:s8] =	ssyncset.s32 @!p0 $0xFFFFF086;
	s6 =	sadd.s32 @!p0 s3, s7;
	s7 =	simm.s32 @!p0 $0x108  }
0x21: {  	s3 =	sadd.s32 s3, s9;
	s6 =	sadd.s32 @!p0 $0x88, s6;
	s7 =	simm.s32 @p2 $0x1082  }
0x22: {  	[simem:s7], [sflag:s8] =	dma.local @!p0 [hbm:s6], $0xF7A  }
0x23: {  	s9 =	sor.u32 $0xD0000000, s2;
	s6 =	simm.s32 $0x108;
	_ =	swait.ge @!p0 [sflag:s8], $0x0  }
0x24: {  	s3 =	sadd.s32 $0x88, s3;
	s6 =	simm.s32 @!p1 $0x1082;
	[sflag:s4] =	ssyncset.s32 $0xFFFFF086  }
0x25: {  	[simem:s6], [sflag:s4] =	dma.local [hbm:s3], $0xF7A  }
0x26: {  	[smem:$0x3F97] =	sst s1;
	(tag) =	ssettag s2;
	_ =	strace s9  }
0x27: {  	s1 =	sld [smem:$0x3FA7]  }
0x28: {  	s2 =	sld [smem:$0x3FA8]  }
0x29: {  	s4 =	sld [smem:$0x3FAA]  }
0x2a: {  	p0 =	seq.s32 s5, $0x0;
	s5 =	sld [smem:$0x3FAB]  }
0x2b: {  	s6 =	sld [smem:$0x3FAC]  }
0x2c: {  	s7 =	sld [smem:$0x3FAD]  }
0x2d: {  	s3 =	simm.s32 $0x108;
	s8 =	sld [smem:$0x3FAE]  }
0x2e: {  	s3 =	simm.s32 @!p0 $0x1082;
	s9 =	sld [smem:$0x3FAF]  }
0x2f: {  	lr =	sadd.s32 s0, s3;
	s0 =	sld [smem:$0x3FA6]  }
0x30: {  	s3 =	sld [smem:$0x3FA9]  }
0x31: {  	[smem:$0x3FB2] =	sst s10  }
0x32: {  	s10 =	sld [smem:$0x3FB0];
	_ =	sdelay $0x3  }
0x33: {  	p0 =	seq.s32 s10, $0x1;
	s10 =	sld [smem:$0x3FB2];
	_ =	sdelay $0x3  }
0x34: {  	[smem:$0x3FB2] =	sst s10  }
0x35: {  	s10 =	sld [smem:$0x3FB1];
	_ =	sdelay $0x3  }
0x36: {  	p1 =	seq.s32 s10, $0x1;
	s10 =	sld [smem:$0x3FB2];
	_ =	sdelay $0x3  }
0x37: {  	[smem:$0x3FB2] =	sst s10  }
0x38: {  	s10 =	sld [smem:$0x3FB3]  }
0x39: {  	_ = 	snop;
	(pc) =	sbr.ind lr, $3  }
0x3a: {  	_ = 	snop  }
0x3b: {  	_ = 	snop  }
0x3c: {  	p2 =	seq.s32 s10, $0x1;
	s10 =	sld [smem:$0x3FB2]  }
0x3d: {  	_ =	shalt  }
0x3e: {  	_ =	shalt  }
0x3f: {  	_ =	shalt  }
0x40: {  	_ =	shalt  }
0x41: {  	_ =	shalt  }
0x42: {  	_ =	shalt  }
0x43: {  	_ =	shalt  }
0x44: {  	_ =	shalt  }
0x45: {  	_ =	shalt  }
0x46: {  	_ =	shalt  }
0x47: {  	_ =	shalt  }
0x48: {  	_ =	shalt  }
0x49: {  	_ =	shalt  }
0x4a: {  	_ =	shalt  }
0x4b: {  	_ =	shalt  }
0x4c: {  	_ =	shalt  }
0x4d: {  	_ =	shalt  }
0x4e: {  	_ =	shalt  }
0x4f: {  	_ =	shalt  }
0x50: {  	_ =	shalt  }
0x51: {  	_ =	shalt  }
0x52: {  	_ =	shalt  }
0x53: {  	_ =	shalt  }
0x54: {  	_ =	shalt  }
0x55: {  	_ =	shalt  }
0x56: {  	_ =	shalt  }
0x57: {  	_ =	shalt  }
0x58: {  	_ =	shalt  }
0x59: {  	_ =	shalt  }
0x5a: {  	_ =	shalt  }
0x5b: {  	_ =	shalt  }
0x5c: {  	_ =	shalt  }
0x5d: {  	_ =	shalt  }
0x5e: {  	_ =	shalt  }
0x5f: {  	_ =	shalt  }
0x60: {  	_ =	shalt  }
0x61: {  	_ =	shalt  }
0x62: {  	_ =	shalt  }
0x63: {  	_ =	shalt  }
0x64: {  	_ =	shalt  }
0x65: {  	_ =	shalt  }
0x66: {  	_ =	shalt  }
0x67: {  	_ =	shalt  }
0x68: {  	_ =	shalt  }
0x69: {  	_ =	shalt  }
0x6a: {  	_ =	shalt  }
0x6b: {  	_ =	shalt  }
0x6c: {  	_ =	shalt  }
0x6d: {  	_ =	shalt  }
0x6e: {  	_ =	shalt  }
0x6f: {  	_ =	shalt  }
0x70: {  	_ =	shalt  }
0x71: {  	_ =	shalt  }
0x72: {  	_ =	shalt  }
0x73: {  	_ =	shalt  }
0x74: {  	_ =	shalt  }
0x75: {  	_ =	shalt  }
0x76: {  	_ =	shalt  }
0x77: {  	_ =	shalt  }
0x78: {  	_ =	shalt  }
0x79: {  	_ =	shalt  }
0x7a: {  	_ =	shalt  }
0x7b: {  	_ =	shalt  }
0x7c: {  	_ =	shalt  }
0x7d: {  	_ =	shalt  }
0x7e: {  	_ =	shalt  }
0x7f: {  	_ =	shalt  }
0x80: {  	_ =	shalt  }
0x81: {  	_ =	shalt  }
0x82: {  	_ =	shalt  }
0x83: {  	_ =	shalt  }
0x84: {  	_ =	shalt  }
0x85: {  	_ =	shalt  }
0x86: {  	_ =	shalt  }
0x87: {  	_ =	shalt  }
.Lfunc_end0:
.L_simem_size_0:
called_computation_lowered:
.L_overlay_start_0:
0x88: {  	s2 =	sld [smem:$0x3FD9]  }
0x89: {  	s3 =	sld [smem:$0x3FFE];
	_ =	sdelay $0x1  }
0x8a: {  	s1 =	srdreg.scid  }
0x8b: {  	s0 =	sand.u32 $0x1, s1  }
0x8c: {  	s17 =	sshll.u32 s0, $0xA;
	s2 =	sadd.s32 s3, s2  }
0x8d: {  	s2 =	sadd.s32 s2, s17  }
0x8e: {  	[smem:$0x3FBE] =	sst s2  }
0x8f: {  	_ = 	snop  }
0x90: {  	s2 =	sld [smem:$0x3FC8]  }
0x91: {  	s18 =	sld [smem:$0x3FD0];
	(tm) =	ssettm $0x1  }
0x92: {  	s4 =	sld [smem:$0x3FFB];
	_ =	sdelay $0x3  }
0x93: {  	_ =	strace s4  }
0x94: {  	s4 =	sld [smem:$0x3FFC];
	_ =	sdelay $0x3  }
0x95: {  	_ =	strace s4  }
0x96: {  	s4 =	sld [smem:$0x3FFD];
	_ =	sdelay $0x3  }
0x97: {  	_ =	strace s4  }
0x98: {  	_ =	strace $0x8FFFFFFF  }
0x99: {  	s19 =	sld [smem:$0x3FDB];
	_ =	sdelay $0x1  }
0x9a: {  	s5 =	simm.s32 $_scs_section_size  }
0x9b: {  	s6 =	simm.s32 $_size__tile_overlayer_lowered;
	s7 =	simm.s32 $_tile_overlayer_lowered  }
0x9c: {  	s22 =	simm.s32 $0x1BFF;
	s21 =	sshll.u32 s7, $0x1;
	s4 =	sadd.s32 s5, s19  }
0x9d: {  	s8 =	simm.s32 $0x0;
	s20 =	sshll.u32 s6, $0x1;
	s6 =	sadd.s32 s21, s4  }
0x9e: {  	[timem:s8], [sflag:s22] =	dma.local [hbm:s6], s20  }
0x9f: {  	_ =	swait.ge [sflag:s22], s20  }
0xa0: {  	s5 =	ssub.s32 $0x0, s20;
	[sflag:s22] =	ssyncset.done $0x0  }
0xa1: {  	[sflag:s22] =	ssyncadd.s32 s5;
	_ =	sdelay $0x1  }
0xa2: {  	s23 =	simm.s32 $0x1B8B  }
0xa3: {  	_ =	swait.ge [sflag:s23], $0x1  }
0xa4: {  	[sflag:s23] =	ssyncset.done $0x0  }
0xa5: {  	s25 =	simm.s32 $0x1B8E;
	s24 =	sld [smem:$0x3FFE];
	[sflag:s23] =	ssyncadd.s32 $0xFFFFFFFF  }
0xa6: {  	s26 =	simm.s32 $execute0_lowered;
	[smem:$0x3FD2] =	sst s25  }
0xa7: {  	s6 =	sshll.u32 s26, $0x1;
	_ =	strace $0x80000046;
	[dreg:$0x1] =	wrdreg $0xFFFFFFFF  }
0xa8: {  	s28 =	simm.s32 $_size_execute0_lowered;
	s4 =	sadd.s32 s4, s6;
	[dreg:$0x0] =	wrdreg $0x0  }
0xa9: {  	s6 =	sshll.u32 s28, $0x1;
	[dreg:$0x2] =	wrdreg s4  }
0xaa: {  	[dreg:$0x3] =	wrdreg s6  }
0xab: {  	[dreg:$0x4] =	wrdreg $0xC0  }
0xac: {  	_ =	task [dreg:s8], $0x5FFFF  }
0xad: {  	[dreg:$0x1] =	wrdreg $0xFFFFFFFF  }
0xae: {  	[dreg:$0x0] =	wrdreg $0x60  }
0xaf: {  	[dreg:$0x2] =	wrdreg s2  }
0xb0: {  	[dreg:$0x3] =	wrdreg s24  }
0xb1: {  	[dreg:$0x4] =	wrdreg s18  }
0xb2: {  	[dreg:$0x5] =	wrdreg $0x9  }
0xb3: {  	_ =	task.clear_ibuf [dreg:s8], $0x6FFFF;
	_ =	strace $0x90000046  }
0xb4: {  	s29 =	simm.s32 $0x9;
	_ =	strace $0x80000048  }
0xb5: {  	_ =	swait.ge [sflag:s29], $0x1  }
0xb6: {  	[sflag:s29] =	ssyncadd.s32 $0xFFFFFFFF  }
0xb7: {  	_ =	strace $0x90000048  }
0xb8: {  	_ =	sfence  }
0xb9: {  	s30 =	sld [smem:$0x0];
	_ =	sdelay $0x2  }
0xba: {  	s31 =	sshll.u32 s1, $0xD;
	s1 =	sshrl.u32 s1, $0x2  }
0xbb: {  	s3 =	sand.u32 $0x4000, s31;
	s1 =	sadd.s32 s1, s30  }
0xbc: {  	s0 =	sor.u32 s3, s0;
	s1 =	sshll.u32 s1, $0x11  }
0xbd: {  	s0 =	sor.u32 s1, s0  }
0xbe: {  	s0 =	sadd.s32 $0x8F2B, s0  }
0xbf: {  	[sflag:s0] =	ssyncadd.remote.s32 $0x1  }
0xc0: {  	_ =	sfence.sel $0xFFFF  }
0xc1: {  	[dreg:$0x0] =	wrdreg $0xFFFFFFFF;
	(pc) =	sbr.abs _section_cstart, $3  }
0xc2: {  	[dreg:$0x1] =	wrdreg $0xFFFFFFFF  }
0xc3: {  	_ =	task.clear_ibuf [dreg:s8], $0x2FFFF;
	_ =	strace $0x9FFFFFFF  }
0xc4: {  	(tm) =	ssettm $0x7FFFFFFF  }
0xc5: {  	_ =	shalt  }
tec
execute0_lowered:
.L_overlay_start_1:
0x0: {  	(tag) =	ssettag $0x1  }
0x1: {  	s1 =	rddreg [dreg:$0x0];
	s2 =	srdreg.scid  }
0x2: {  	s5 =	rddreg [dreg:$0x1];
	s0 =	stileid.u32;
	s24 =	sand.u32 $0x1, s2  }
0x3: {  	s3 =	rddreg [dreg:$0x2];
	s6 =	sshll.u32 s0, $0x8;
	s7 =	sshll.u32 s24, $0x7  }
0x4: {  	s4 =	simm.s32 $0x0;
	s2 =	rddreg [dreg:$0x3];
	s6 =	sor.u32 s7, s6  }
0x5: {  	[smem:$0x7FF] =	sst s4;
	s7 =	sadd.s32 s6, s5  }
0x6: {  	_ =	strace $0x80000047;
	s6 =	simm.s32 $0x3;
	s5 =	sadd.s32 $0x1400, s7  }
0x7: {  	[tilespmem:s4], [sflag:$0x3] =	stream.linear.gather [hbm4b:s5+s4], $0x280, $0x38;
	[tilespmem:$0x14800] =	vst v63  }
0x8: {  	_ =	swait.ge [sflag:s6], $0x280  }
0x9: {  	[sflag:s6] =	ssyncset.done $0x0  }
0xa: {  	s8 =	simm.s32 $0x400;
	s7 =	sadd.s32 $0x2400, s7;
	[sflag:s6] =	ssyncadd.s32 $0xFFFFFD80  }
0xb: {  	[tilespmem:s8], [sflag:$0x3] =	stream.linear.gather [hbm4b:s7+s4], $0x280, $0x38;
	[tilespmem:$0x14800] =	vst v63  }
0xc: {  	_ =	swait.ge [sflag:s6], $0x280  }
0xd: {  	[sflag:s6] =	ssyncset.done $0x0  }
0xe: {  	s9 =	simm.s32 $0x80;
	s10 =	simm.s32 $0x800;
	[sflag:s6] =	ssyncadd.s32 $0xFFFFFD80  }
0xf: {  	[tilespmem:s10], [sflag:$0x1] =	stream.indirect.gather [hbm4b:s1+s9], $0x80, s4, s9, $0xb8;
	[tilespmem:$0x14800] =	vst v63  }
0x10: {  	s11 =	simm.s32 $0x4800  }
0x11: {  	[tilespmem:s11], [sflag:$0x1] =	stream.indirect.gather [hbm4b:s1+s9], $0x80, s9, s9, $0xb8;
	[tilespmem:$0x14800] =	vst v63  }
0x12: {  	s12 =	simm.s32 $0x100;
	s13 =	simm.s32 $0x8800  }
0x13: {  	[tilespmem:s13], [sflag:$0x1] =	stream.indirect.gather [hbm4b:s1+s9], $0x80, s12, s9, $0xb8;
	[tilespmem:$0x14800] =	vst v63  }
0x14: {  	s14 =	simm.s32 $0x180;
	s15 =	simm.s32 $0xC800  }
0x15: {  	[tilespmem:s15], [sflag:$0x1] =	stream.indirect.gather [hbm4b:s1+s9], $0x80, s14, s9, $0xb8;
	[tilespmem:$0x14800] =	vst v63  }
0x16: {  	s16 =	simm.s32 $0x200;
	s17 =	simm.s32 $0x10800;
	s18 =	simm.s32 $0x1  }
0x17: {  	[tilespmem:s17], [sflag:$0x1] =	stream.indirect.gather [hbm4b:s1+s9], $0x80, s16, s9, $0xb8;
	[tilespmem:$0x14800] =	vst v63  }
0x18: {  	_ =	swait.ge [sflag:s18], $0x4000  }
0x19: {  	[sflag:s18] =	ssyncset.done $0x0  }
0x1a: {  	[sflag:s18] =	ssyncadd.s32 $0xFFFFC000  }
0x1b: {  	_ =	swait.ge [sflag:s18], $0x4000  }
0x1c: {  	[sflag:s18] =	ssyncset.done $0x0  }
0x1d: {  	[sflag:s18] =	ssyncadd.s32 $0xFFFFC000  }
0x1e: {  	_ =	swait.ge [sflag:s18], $0x4000  }
0x1f: {  	[sflag:s18] =	ssyncset.done $0x0  }
0x20: {  	[sflag:s18] =	ssyncadd.s32 $0xFFFFC000  }
0x21: {  	_ =	swait.ge [sflag:s18], $0x4000  }
0x22: {  	[sflag:s18] =	ssyncset.done $0x0  }
0x23: {  	[sflag:s18] =	ssyncadd.s32 $0xFFFFC000  }
0x24: {  	_ =	swait.ge [sflag:s18], $0x4000  }
0x25: {  	[sflag:s18] =	ssyncset.done $0x0  }
0x26: {  	[sflag:s18] =	ssyncadd.s32 $0xFFFFC000  }
0x27: {  	[hbm4b:s3+s9] =	stream.indirect.scatter [tilespmem:s10], [sflag:$0x2], $0x80, s8, s9, $0xb8;
	[tilespmem:$0x14800] =	vst v63  }
0x28: {  	s19 =	simm.s32 $0x480  }
0x29: {  	[hbm4b:s3+s9] =	stream.indirect.scatter [tilespmem:s11], [sflag:$0x2], $0x80, s19, s9, $0xb8;
	[tilespmem:$0x14800] =	vst v63  }
0x2a: {  	s20 =	simm.s32 $0x500  }
0x2b: {  	[hbm4b:s3+s9] =	stream.indirect.scatter [tilespmem:s13], [sflag:$0x2], $0x80, s20, s9, $0xb8;
	[tilespmem:$0x14800] =	vst v63  }
0x2c: {  	s21 =	simm.s32 $0x580  }
0x2d: {  	[hbm4b:s3+s9] =	stream.indirect.scatter [tilespmem:s15], [sflag:$0x2], $0x80, s21, s9, $0xb8;
	[tilespmem:$0x14800] =	vst v63  }
0x2e: {  	s23 =	simm.s32 $0x600;
	s22 =	simm.s32 $0x2  }
0x2f: {  	[hbm4b:s3+s9] =	stream.indirect.scatter [tilespmem:s17], [sflag:$0x2], $0x80, s23, s9, $0xb8;
	[tilespmem:$0x14800] =	vst v63  }
0x30: {  	_ =	swait.ge [sflag:s22], $0x4000  }
0x31: {  	[sflag:s22] =	ssyncset.done $0x0  }
0x32: {  	[sflag:s22] =	ssyncadd.s32 $0xFFFFC000  }
0x33: {  	_ =	swait.ge [sflag:s22], $0x4000  }
0x34: {  	s24 =	ssub.s32 $0x2, s24;
	[sflag:s22] =	ssyncset.done $0x0  }
0x35: {  	s25 =	sshrl.u32 s24, $0x1;
	[sflag:s22] =	ssyncadd.s32 $0xFFFFC000  }
0x36: {  	s24 =	ssub.s32 s24, s25;
	_ =	swait.ge [sflag:s22], $0x4000  }
0x37: {  	s24 =	smax.u32 s24, $0x1;
	[sflag:s22] =	ssyncset.done $0x0  }
0x38: {  	p0 =	sne.s32 s24, $0x1;
	[sflag:s22] =	ssyncadd.s32 $0xFFFFC000  }
.Ltmp0:
0x39: {  	_ =	swait.ge [sflag:s22], $0x4000;
	(pc) =	sbr.rel @!p0 .LBB2_2-.Ltmp0, $4  }
0x3a: {  	[sflag:s22] =	ssyncset.done $0x0  }
0x3b: {  	[sflag:s22] =	ssyncadd.s32 $0xFFFFC000  }
0x3c: {  	_ =	swait.ge [sflag:s22], $0x4000  }
0x3d: {  	s24 =	sadd.s32 $0xFFFFFFFF, s24;
	[sflag:s22] =	ssyncset.done $0x0  }
.LBB2_1:
0x3e: {  	p0 =	sne.s32 s24, $0x1;
	s24 =	sadd.s32 $0xFFFFFFFF, s24;
	[sflag:s22] =	ssyncadd.s32 $0xFFFFC000  }
0x3f: {  	[tilespmem:s4], [sflag:$0x3] =	stream.linear.gather [hbm4b:s5+s4], $0x280, $0x38;
	[tilespmem:$0x14800] =	vst v63  }
0x40: {  	_ =	swait.ge [sflag:s6], $0x280  }
0x41: {  	[sflag:s6] =	ssyncset.done $0x0  }
0x42: {  	[sflag:s6] =	ssyncadd.s32 $0xFFFFFD80  }
0x43: {  	[tilespmem:s8], [sflag:$0x3] =	stream.linear.gather [hbm4b:s7+s4], $0x280, $0x38;
	[tilespmem:$0x14800] =	vst v63  }
0x44: {  	_ =	swait.ge [sflag:s6], $0x280  }
0x45: {  	[sflag:s6] =	ssyncset.done $0x0  }
0x46: {  	[sflag:s6] =	ssyncadd.s32 $0xFFFFFD80  }
0x47: {  	[tilespmem:s10], [sflag:$0x1] =	stream.indirect.gather [hbm4b:s1+s9], $0x80, s4, s9, $0xb8;
	[tilespmem:$0x14800] =	vst v63  }
0x48: {  	_ = 	snop  }
0x49: {  	[tilespmem:s11], [sflag:$0x1] =	stream.indirect.gather [hbm4b:s1+s9], $0x80, s9, s9, $0xb8;
	[tilespmem:$0x14800] =	vst v63  }
0x4a: {  	_ = 	snop  }
0x4b: {  	[tilespmem:s13], [sflag:$0x1] =	stream.indirect.gather [hbm4b:s1+s9], $0x80, s12, s9, $0xb8;
	[tilespmem:$0x14800] =	vst v63  }
0x4c: {  	_ = 	snop  }
0x4d: {  	[tilespmem:s15], [sflag:$0x1] =	stream.indirect.gather [hbm4b:s1+s9], $0x80, s14, s9, $0xb8;
	[tilespmem:$0x14800] =	vst v63  }
0x4e: {  	_ = 	snop  }
0x4f: {  	[tilespmem:s17], [sflag:$0x1] =	stream.indirect.gather [hbm4b:s1+s9], $0x80, s16, s9, $0xb8;
	[tilespmem:$0x14800] =	vst v63  }
0x50: {  	_ =	swait.ge [sflag:s18], $0x4000  }
0x51: {  	[sflag:s18] =	ssyncset.done $0x0  }
0x52: {  	[sflag:s18] =	ssyncadd.s32 $0xFFFFC000  }
0x53: {  	_ =	swait.ge [sflag:s18], $0x4000  }
0x54: {  	[sflag:s18] =	ssyncset.done $0x0  }
0x55: {  	[sflag:s18] =	ssyncadd.s32 $0xFFFFC000  }
0x56: {  	_ =	swait.ge [sflag:s18], $0x4000  }
0x57: {  	[sflag:s18] =	ssyncset.done $0x0  }
0x58: {  	[sflag:s18] =	ssyncadd.s32 $0xFFFFC000  }
0x59: {  	_ =	swait.ge [sflag:s18], $0x4000  }
0x5a: {  	[sflag:s18] =	ssyncset.done $0x0  }
0x5b: {  	[sflag:s18] =	ssyncadd.s32 $0xFFFFC000  }
0x5c: {  	_ =	swait.ge [sflag:s18], $0x4000  }
0x5d: {  	[sflag:s18] =	ssyncset.done $0x0  }
0x5e: {  	[sflag:s18] =	ssyncadd.s32 $0xFFFFC000  }
0x5f: {  	[hbm4b:s3+s9] =	stream.indirect.scatter [tilespmem:s10], [sflag:$0x2], $0x80, s8, s9, $0xb8;
	[tilespmem:$0x14800] =	vst v63  }
0x60: {  	_ = 	snop  }
0x61: {  	[hbm4b:s3+s9] =	stream.indirect.scatter [tilespmem:s11], [sflag:$0x2], $0x80, s19, s9, $0xb8;
	[tilespmem:$0x14800] =	vst v63  }
0x62: {  	_ = 	snop  }
0x63: {  	[hbm4b:s3+s9] =	stream.indirect.scatter [tilespmem:s13], [sflag:$0x2], $0x80, s20, s9, $0xb8;
	[tilespmem:$0x14800] =	vst v63  }
0x64: {  	_ = 	snop  }
0x65: {  	[hbm4b:s3+s9] =	stream.indirect.scatter [tilespmem:s15], [sflag:$0x2], $0x80, s21, s9, $0xb8;
	[tilespmem:$0x14800] =	vst v63  }
0x66: {  	_ = 	snop  }
0x67: {  	[hbm4b:s3+s9] =	stream.indirect.scatter [tilespmem:s17], [sflag:$0x2], $0x80, s23, s9, $0xb8;
	[tilespmem:$0x14800] =	vst v63  }
0x68: {  	_ =	swait.ge [sflag:s22], $0x4000  }
0x69: {  	[sflag:s22] =	ssyncset.done $0x0  }
0x6a: {  	[sflag:s22] =	ssyncadd.s32 $0xFFFFC000  }
0x6b: {  	_ =	swait.ge [sflag:s22], $0x4000  }
0x6c: {  	[sflag:s22] =	ssyncset.done $0x0  }
0x6d: {  	[sflag:s22] =	ssyncadd.s32 $0xFFFFC000  }
0x6e: {  	_ =	swait.ge [sflag:s22], $0x4000  }
0x6f: {  	[sflag:s22] =	ssyncset.done $0x0  }
0x70: {  	[sflag:s22] =	ssyncadd.s32 $0xFFFFC000  }
.Ltmp1:
0x71: {  	_ =	swait.ge [sflag:s22], $0x4000;
	(pc) =	sbr.rel @p0 .LBB2_1-.Ltmp1, $4  }
0x72: {  	[sflag:s22] =	ssyncset.done $0x0  }
0x73: {  	[sflag:s22] =	ssyncadd.s32 $0xFFFFC000  }
0x74: {  	_ =	swait.ge [sflag:s22], $0x4000  }
0x75: {  	[sflag:s22] =	ssyncset.done $0x0  }
.LBB2_2:
0x76: {  	[sflag:s22] =	ssyncadd.s32 $0xFFFFC000  }
0x77: {  	_ =	sfence.sel $0x180000  }
0x78: {  	[bflag:$0x0] =	sbarrier.arrive $0xFFFF  }
0x79: {  	p0 =	sne.s32 s0, $0x0;
	_ =	strace $0x90000047  }
0x7a: {  	s0 =	sadd.s32 @!p0 $0x100000, s2;
	[bflag:$0x2] =	sbarrier.arrive $0xFFFF  }
0x7b: {  	[sflag:s0] =	ssyncadd.tile.s32 @!p0 $0x1;
	_ =	shalt  }
.Lfunc_end2:
_tile_overlayer_lowered:
.L_overlay_start_2:
0x7c: {  	(tag) =	ssettag $0x2  }
0x7d: {  	s0 =	rddreg [dreg:$0x0];
	s2 =	stileid.u32  }
0x7e: {  	s1 =	rddreg [dreg:$0x1];
	p0 =	sne.s32 s2, $0x0  }
0x7f: {  	s3 =	rddreg [dreg:$0x2];
	[bflag:$0x3] =	sbarrier.arrive $0xFFFF;
	s2 =	simm.s32 @!p0 $0x1C03  }
0x80: {  	[timem:s3], [sflag:s2] =	dma.local @!p0 [hbm:s0], s1  }
0x81: {  	s0 =	simm.s32 @!p0 $0x3  }
0x82: {  	_ =	swait.ge @!p0 [sflag:s0], s1  }
0x83: {  	s1 =	ssub.s32 @!p0 $0x0, s1;
	[sflag:s0] =	ssyncset.done @!p0 $0x0  }
0x84: {  	[sflag:s0] =	ssyncadd.s32 @!p0 s1  }
0x85: {  	[bflag:$0x3] =	sbarrier.arrive $0xFFFF  }
0x86: {  	_ =	shalt  }

</sc_bundles>
